<compile_context>
chip_gen: v7x
topology: tpu7x:2x2x1
jax: 0.10.2.dev20260603
libtpu: 0.0.44.dev20260713+nightly
codegen_flags: <defaults>
</compile_context>

<pallas_src>
import dataclasses
import functools

import jax
import jax.numpy as jnp
from jax import lax
from jax.experimental import pallas as pl
from jax.experimental.pallas import tpu as pltpu
from jax.experimental.pallas import tpu_sc as plsc

NN = 10000
EE = 320000
DD = 128

NWORK = 32
NPW = 320
NPAD = NWORK * NPW
WIN = 8000
GW = 768
CAP = EE + 8 * WIN

_mesh = plsc.VectorSubcoreMesh(core_axis_name="c", subcore_axis_name="s")

_SC_PARAMS = pltpu.CompilerParams()
if "needs_layout_passes" in pltpu.CompilerParams.__dataclass_fields__:
    _SC_PARAMS = dataclasses.replace(_SC_PARAMS, needs_layout_passes=False)

_SEG_PARAMS = _SC_PARAMS
if "use_tc_tiling_on_sc" in pltpu.CompilerParams.__dataclass_fields__:
    _SEG_PARAMS = dataclasses.replace(_SEG_PARAMS, use_tc_tiling_on_sc=False)

_TC_PARAMS = pltpu.CompilerParams(vmem_limit_bytes=100 * 1024 * 1024)


def _wid():
    return lax.axis_index("s") * 2 + lax.axis_index("c")


@jax.jit
def _partition(src_all, dst_all):
    @functools.partial(
        pl.kernel,
        mesh=_mesh,
        compiler_params=_SC_PARAMS,
        out_type=[
            jax.ShapeDtypeStruct((NWORK * 16,), jnp.int32),
            jax.ShapeDtypeStruct((NWORK * CAP,), jnp.int32),
            jax.ShapeDtypeStruct((NWORK * CAP,), jnp.int32),
        ],
        scratch_types=[
            pltpu.VMEM((WIN,), jnp.int32),
            pltpu.VMEM((WIN,), jnp.int32),
            pltpu.VMEM((WIN,), jnp.int32),
            pltpu.VMEM((WIN,), jnp.int32),
            pltpu.VMEM((WIN,), jnp.int32),
            pltpu.VMEM((WIN,), jnp.int32),
            pltpu.VMEM((16,), jnp.int32),
            pltpu.SemaphoreType.DMA,
            pltpu.SemaphoreType.DMA,
        ],
    )
    def part_kernel(src_hbm, dst_hbm, cnt_hbm, srcl_hbm, dstl_hbm,
                    srcw0, srcw1, dstw0, dstw1, stg_s, stg_d, cntv,
                    psem0, psem1):
        wid = _wid()
        lo = wid * NPW
        hi = lo + NPW
        srcws = (srcw0, srcw1)
        dstws = (dstw0, dstw1)
        psems = (psem0, psem1)
        NWIN = EE // WIN

        sent_s = jnp.full((16,), 0, jnp.int32) + lo
        sent_d = jnp.full((16,), NPW, jnp.int32)

        @pl.loop(0, WIN // 16)
        def _(i):
            stg_s[pl.ds(i * 16, 16)] = sent_s
            stg_d[pl.ds(i * 16, 16)] = sent_d

        def issue(g, slot):
            pltpu.async_copy(src_hbm.at[pl.ds(g * WIN, WIN)], srcws[slot],
                             psems[slot])
            pltpu.async_copy(dst_hbm.at[pl.ds(g * WIN, WIN)], dstws[slot],
                             psems[slot])

        def process(g, slot, total):
            srcw = srcws[slot]
            dstw = dstws[slot]
            pltpu.make_async_copy(src_hbm.at[pl.ds(g * WIN, WIN)], srcw,
                                  psems[slot]).wait()
            pltpu.make_async_copy(dst_hbm.at[pl.ds(g * WIN, WIN)], dstw,
                                  psems[slot]).wait()

            def chunk(i, cntv_):
                d = dstw[pl.ds(i * 16, 16)]
                s = srcw[pl.ds(i * 16, 16)]
                msk = (d >= lo) & (d < hi)
                pos = plsc.cumsum(msk.astype(jnp.int32)) + (cntv_ - 1)
                plsc.store_scatter(stg_s, [pos], s, mask=msk)
                plsc.store_scatter(stg_d, [pos], d - lo, mask=msk)
                pc = plsc.all_reduce_population_count(msk)
                return cntv_ + pc

            cnt_vec = lax.fori_loop(0, WIN // 16, chunk,
                                    jnp.zeros((16,), jnp.int32), unroll=8)
            cnt = cnt_vec[0]
            off = pl.multiple_of(wid * CAP + total, 16)
            pltpu.sync_copy(stg_s, srcl_hbm.at[pl.ds(off, WIN)])
            pltpu.sync_copy(stg_d, dstl_hbm.at[pl.ds(off, WIN)])
            return total + ((cnt + 15) & ~15)

        issue(0, 0)

        def pair_body(gp, total):
            g0 = gp * 2
            issue(g0 + 1, 1)
            total = process(g0, 0, total)

            @pl.when(gp + 1 < NWIN // 2)
            def _():
                issue(g0 + 2, 0)

            total = process(g0 + 1, 1, total)
            return total

        total = lax.fori_loop(0, NWIN // 2, pair_body, 0)
        off = pl.multiple_of(wid * CAP + total, 16)
        pltpu.sync_copy(stg_s, srcl_hbm.at[pl.ds(off, WIN)])
        pltpu.sync_copy(stg_d, dstl_hbm.at[pl.ds(off, WIN)])
        cntv[...] = jnp.full((16,), 0, jnp.int32) + total
        pltpu.sync_copy(cntv, cnt_hbm.at[pl.ds(pl.multiple_of(wid * 16, 16), 16)])

    return part_kernel(src_all, dst_all)


@jax.jit
def _segmax(m, counts, srcl, dstl):
    @functools.partial(
        pl.kernel,
        mesh=_mesh,
        compiler_params=_SEG_PARAMS,
        out_type=jax.ShapeDtypeStruct((NPAD, DD // 2), jnp.int32),
        scratch_types=[
            pltpu.VMEM((16,), jnp.int32),
            pltpu.VMEM((GW,), jnp.int32),
            pltpu.VMEM((GW,), jnp.int32),
            pltpu.VMEM((GW,), jnp.int32),
            pltpu.VMEM((GW,), jnp.int32),
            pltpu.VMEM((GW, DD // 2), jnp.int32),
            pltpu.VMEM((GW, DD // 2), jnp.int32),
            pltpu.VMEM((NPW + 1, DD // 2), jnp.int32),
            pltpu.SemaphoreType.DMA,
            pltpu.SemaphoreType.DMA,
        ],
    )
    def seg_kernel(m_hbm, cnt_hbm, srcl_hbm, dstl_hbm, out_hbm,
                   cntv, idx0, idx1, dl0, dl1, rows0, rows1, acc,
                   sem0, sem1):
        wid = _wid()
        pltpu.sync_copy(cnt_hbm.at[pl.ds(pl.multiple_of(wid * 16, 16), 16)], cntv)
        total = cntv[...][0]
        n_g = (total + GW - 1) // GW

        idxs = (idx0, idx1)
        dls = (dl0, dl1)
        rowss = (rows0, rows1)
        sems = (sem0, sem1)

        zero16 = jnp.zeros((16,), jnp.int32)

        @pl.loop(0, NPW + 1)
        def _(r):
            for j in range(DD // 32):
                acc[r, pl.ds(j * 16, 16)] = zero16

        def issue(g, slot):
            goff = pl.multiple_of(wid * CAP + g * GW, 16)
            pltpu.sync_copy(srcl_hbm.at[pl.ds(goff, GW)], idxs[slot])
            pltpu.sync_copy(dstl_hbm.at[pl.ds(goff, GW)], dls[slot])
            pltpu.async_copy(m_hbm.at[idxs[slot]], rowss[slot], sems[slot])

        def accum(slot):
            rows = rowss[slot]
            dlv = dls[slot]
            pltpu.make_async_copy(m_hbm.at[idxs[slot]], rows,
                                  sems[slot]).wait()

            def e_body(c, c2):
                dl16 = dlv[pl.ds(c * 16, 16)]
                for k in range(16):
                    e = c * 16 + k
                    dl = dl16[k]
                    for j in range(DD // 32):
                        sl = pl.ds(j * 16, 16)
                        rp = plsc.bitcast(rows[e, sl], jnp.bfloat16)
                        a = plsc.bitcast(acc[dl, sl], jnp.bfloat16)
                        acc[dl, sl] = plsc.bitcast(jnp.maximum(a, rp),
                                                   jnp.int32)
                return c2

            lax.fori_loop(0, GW // 16, e_body, 0, unroll=4)

        @pl.when(n_g > 0)
        def _():
            issue(0, 0)

        def g_body(g, carry):
            def stage(slot, other):
                @pl.when(g + 1 < n_g)
                def _():
                    issue(g + 1, other)

                accum(slot)

            @pl.when(lax.rem(g, 2) == 0)
            def _():
                stage(0, 1)

            @pl.when(lax.rem(g, 2) == 1)
            def _():
                stage(1, 0)

            return carry

        lax.fori_loop(0, n_g, g_body, 0)
        pltpu.sync_copy(acc.at[pl.ds(0, NPW)],
                        out_hbm.at[pl.ds(wid * NPW, NPW)])

    return seg_kernel(m, counts, srcl, dstl)


_PREC = jax.lax.Precision.HIGHEST


def _mm(a, b):
    return jnp.dot(a, b, preferred_element_type=jnp.float32, precision=_PREC)


def _leaky(h):
    return jnp.where(h > 0, h, 0.01 * h)


def _d0_body(x_ref, wp_ref, bp_ref, ws_ref, m_ref, xs_ref):
    x = x_ref[...]
    m_ref[...] = jnp.maximum(_mm(x, wp_ref[...]) + bp_ref[...],
                             0.0).astype(jnp.bfloat16)
    xs_ref[...] = _mm(x, ws_ref[...])


@jax.jit
def _dense0(x, wp, bp, ws):
    return pl.pallas_call(
        _d0_body,
        out_shape=[jax.ShapeDtypeStruct((NN, DD), jnp.bfloat16),
                   jax.ShapeDtypeStruct((NN, DD), jnp.float32)],
        compiler_params=_TC_PARAMS,
    )(x, wp, bp, ws)


def _mid_body(xs_ref, pooled_ref, wn_ref, b_ref, wp_ref, bp_ref, ws_ref,
              m_ref, xs2_ref):
    h = xs_ref[...] + _mm(pooled_ref[...], wn_ref[...]) + b_ref[...]
    h = _leaky(h)
    m_ref[...] = jnp.maximum(_mm(h, wp_ref[...]) + bp_ref[...],
                             0.0).astype(jnp.bfloat16)
    xs2_ref[...] = _mm(h, ws_ref[...])


@jax.jit
def _dense_mid(xs, pooled, wn, b, wp, bp, ws):
    return pl.pallas_call(
        _mid_body,
        out_shape=[jax.ShapeDtypeStruct((NN, DD), jnp.bfloat16),
                   jax.ShapeDtypeStruct((NN, DD), jnp.float32)],
        compiler_params=_TC_PARAMS,
    )(xs, pooled, wn, b, wp, bp, ws)


def _bn_body(xs_ref, pooled_ref, wn_ref, b_ref, g_ref, be_ref,
             wp_ref, bp_ref, ws_ref, m_ref, xs2_ref):
    h = xs_ref[...] + _mm(pooled_ref[...], wn_ref[...]) + b_ref[...]
    mu = jnp.mean(h, axis=0, keepdims=True)
    var = jnp.mean(jnp.square(h - mu), axis=0, keepdims=True)
    h = (h - mu) * jax.lax.rsqrt(var + 1e-5) * g_ref[...] + be_ref[...]
    h = _leaky(h)
    m_ref[...] = jnp.maximum(_mm(h, wp_ref[...]) + bp_ref[...],
                             0.0).astype(jnp.bfloat16)
    xs2_ref[...] = _mm(h, ws_ref[...])


@jax.jit
def _dense_bn(xs, pooled, wn, b, g, be, wp, bp, ws):
    return pl.pallas_call(
        _bn_body,
        out_shape=[jax.ShapeDtypeStruct((NN, DD), jnp.bfloat16),
                   jax.ShapeDtypeStruct((NN, DD), jnp.float32)],
        compiler_params=_TC_PARAMS,
    )(xs, pooled, wn, b, g, be, wp, bp, ws)


def _fin_body(xs_ref, pooled_ref, wn_ref, b_ref, wc_ref, bc_ref, out_ref):
    h = xs_ref[...] + _mm(pooled_ref[...], wn_ref[...]) + b_ref[...]
    out_ref[...] = _mm(h, wc_ref[...]) + bc_ref[...]


@jax.jit
def _dense_fin(xs, pooled, wn, b, wc, bc):
    return pl.pallas_call(
        _fin_body,
        out_shape=jax.ShapeDtypeStruct((NN, 40), jnp.float32),
        compiler_params=_TC_PARAMS,
    )(xs, pooled, wn, b, wc, bc)


def kernel(x, edge_index, Wp0, bp0, Ws0, Wn0, b0, Wp1, bp1, Ws1, Wn1, b1,
           g1, be1, Wp2, bp2, Ws2, Wn2, b2, Wc, bc):
    src = edge_index[0]
    dst = edge_index[1]
    counts, srcl, dstl = _partition(src, dst)

    bp0r = bp0.reshape(1, DD); b0r = b0.reshape(1, DD)
    bp1r = bp1.reshape(1, DD); b1r = b1.reshape(1, DD)
    bp2r = bp2.reshape(1, DD); b2r = b2.reshape(1, DD)
    be1r = be1.reshape(1, DD)
    g1r = g1.reshape(1, DD)
    bcr = bc.reshape(1, 40)

    def pack(m):
        return jax.lax.bitcast_convert_type(
            m.reshape(NN, DD // 2, 2), jnp.int32)

    def unpack(p):
        u = jax.lax.bitcast_convert_type(p, jnp.bfloat16)
        return u.reshape(NPAD, DD)[:NN].astype(jnp.float32)

    m0, xs0 = _dense0(x, Wp0, bp0r, Ws0)
    pooled0 = unpack(_segmax(pack(m0), counts, srcl, dstl))
    m1, xs1 = _dense_mid(xs0, pooled0, Wn0, b0r, Wp1, bp1r, Ws1)
    pooled1 = unpack(_segmax(pack(m1), counts, srcl, dstl))
    m2, xs2 = _dense_bn(xs1, pooled1, Wn1, b1r, g1r, be1r, Wp2, bp2r, Ws2)
    pooled2 = unpack(_segmax(pack(m2), counts, srcl, dstl))
    return _dense_fin(xs2, pooled2, Wn2, b2r, Wc, bcr)

# --- scband reference (transcript-rebuilt; emitter-appended) ---
"""Pipeline reference for scband-gcn-22170621182138 (READ-ONLY COPY).

The authoritative reference and input builder live on the scoring server;
editing this copy changes nothing except your own understanding.
"""

import jax, jax.numpy as jnp
import numpy as np

N = 10000
E = 320000
D = 128
H = 128
O = 128
C = 40

def setup_inputs(seed: int = 0) -> dict:
    key = jax.random.key(seed)
    ks = jax.random.split(key, 16)
    def lin(k, i, o):
        return jax.random.normal(k, (i, o), dtype=jnp.float32) * 0.05
    inp = {}
    inp["x"] = jax.random.normal(ks[0], (N, D), dtype=jnp.float32)
    inp["edge_index"] = jax.random.randint(ks[1], (2, E), 0, N, dtype=jnp.int32)
    inp["Wp0"] = lin(ks[2], D, D); inp["bp0"] = jnp.zeros((D,), jnp.float32)
    inp["Ws0"] = lin(ks[3], D, H); inp["Wn0"] = lin(ks[4], D, H); inp["b0"] = jnp.zeros((H,), jnp.float32)
    inp["Wp1"] = lin(ks[5], H, H); inp["bp1"] = jnp.zeros((H,), jnp.float32)
    inp["Ws1"] = lin(ks[6], H, H); inp["Wn1"] = lin(ks[7], H, H); inp["b1"] = jnp.zeros((H,), jnp.float32)
    inp["g1"] = jnp.ones((H,), jnp.float32); inp["be1"] = jnp.zeros((H,), jnp.float32)
    inp["Wp2"] = lin(ks[8], H, H); inp["bp2"] = jnp.zeros((H,), jnp.float32)
    inp["Ws2"] = lin(ks[9], H, O); inp["Wn2"] = lin(ks[10], H, O); inp["b2"] = jnp.zeros((O,), jnp.float32)
    inp["Wc"] = lin(ks[11], O, C); inp["bc"] = jnp.zeros((C,), jnp.float32)
    return inp

def _sage_pool(x, src, dst, Wp, bp, Ws, Wn, b):
    # DGL SAGEConv 'pool' aggregator: relu(fc_pool(h)) at nodes, gather to edges,
    # max-reduce onto dst, then fc_self(h) + fc_neigh(pooled) + bias
    m = jax.nn.relu(x @ Wp + bp)
    pooled = jax.ops.segment_max(m[src], dst, num_segments=N)
    pooled = jnp.where(jnp.isneginf(pooled), 0.0, pooled)
    return x @ Ws + pooled @ Wn + b

def _bn(h, g, b):
    # BatchNorm1d in training mode: batch statistics, biased variance
    mu = jnp.mean(h, axis=0)
    var = jnp.var(h, axis=0)
    return (h - mu) / jnp.sqrt(var + 1e-5) * g + b

def reference(x, edge_index, Wp0, bp0, Ws0, Wn0, b0, Wp1, bp1, Ws1, Wn1, b1, g1, be1, Wp2, bp2, Ws2, Wn2, b2, Wc, bc):
    src = edge_index[0]
    dst = edge_index[1]
    h = jax.nn.leaky_relu(_sage_pool(x, src, dst, Wp0, bp0, Ws0, Wn0, b0), negative_slope=0.01)
    h = jax.nn.leaky_relu(_bn(_sage_pool(h, src, dst, Wp1, bp1, Ws1, Wn1, b1), g1, be1), negative_slope=0.01)
    h = _sage_pool(h, src, dst, Wp2, bp2, Ws2, Wn2, b2)
    return h @ Wc + bc

if __name__ == "__main__":
    import jax
    _d = setup_inputs()
    print(jax.jit(kernel)(*tuple(_d.values())))

</pallas_src>

<mosaic_0001>
#map = affine_map<(d0, d1) -> (0)>
module attributes {stable_mosaic.version = 14 : i64} {
  func.func @part_kernel(%arg0: i32, %arg1: i32, %arg2: memref<320000xi32, #tpu.memory_space<hbm>>, %arg3: memref<320000xi32, #tpu.memory_space<hbm>>, %arg4: memref<512xi32, #tpu.memory_space<hbm>>, %arg5: memref<12288000xi32, #tpu.memory_space<hbm>>, %arg6: memref<12288000xi32, #tpu.memory_space<hbm>>, %arg7: memref<8000xi32, #tpu.memory_space<vmem>>, %arg8: memref<8000xi32, #tpu.memory_space<vmem>>, %arg9: memref<8000xi32, #tpu.memory_space<vmem>>, %arg10: memref<8000xi32, #tpu.memory_space<vmem>>, %arg11: memref<8000xi32, #tpu.memory_space<vmem>>, %arg12: memref<8000xi32, #tpu.memory_space<vmem>>, %arg13: memref<16xi32, #tpu.memory_space<vmem>>, %arg14: memref<!tpu.dma_semaphore, #tpu.memory_space<semaphore_mem>>, %arg15: memref<!tpu.dma_semaphore, #tpu.memory_space<semaphore_mem>>) attributes {dimension_semantics = [#tpu.dimension_semantics<core_parallel>, #tpu.dimension_semantics<subcore_parallel>], iteration_bounds = array<i64: 2, 16>, scalar_prefetch = 0 : i64, scratch_operands = 9 : i64, tpu.core_type = #tpu.core_type<sc_vector_subcore>, window_params = [{transform_indices = #map}, {transform_indices = #map}, {transform_indices = #map}, {transform_indices = #map}, {transform_indices = #map}]} {
    %mul3A = arith.constant 2 : i32
    %mul3A_0 = arith.muli %arg1, %mul3A : i32
    %add3A = arith.addi %mul3A_0, %arg0 : i32
    %mul3A_1 = arith.constant 320 : i32
    %mul3A_2 = arith.muli %add3A, %mul3A_1 : i32
    %add3A_3 = arith.constant 320 : i32
    %add3A_4 = arith.addi %mul3A_2, %add3A_3 : i32
    %broadcast_in_dim3A = arith.constant 0 : i32
    %broadcast_in_dim3A_5 = vector.broadcast %broadcast_in_dim3A : i32 to vector<16xi32>
    %add3A_6 = vector.broadcast %mul3A_2 : i32 to vector<16xi32>
    %add3A_7 = arith.addi %broadcast_in_dim3A_5, %add3A_6 : vector<16xi32>
    %broadcast_in_dim3A_8 = arith.constant 320 : i32
    %broadcast_in_dim3A_9 = vector.broadcast %broadcast_in_dim3A_8 : i32 to vector<16xi32>
    %scan3A = arith.constant 0 : i32
    %scan3A_10 = arith.constant 500 : i32
    %scan3A_11 = arith.addi %scan3A, %scan3A_10 : i32
    %scan3A_12 = arith.constant 1 : i32
    scf.for %scan3A_39 = %scan3A to %scan3A_11 step %scan3A_12  : i32 {
      %mul3A_40 = arith.constant 1 : i32
      %mul3A_41 = arith.muli %scan3A_39, %mul3A_40 : i32
      %add3A_42 = arith.constant 0 : i32
      %add3A_43 = arith.addi %add3A_42, %mul3A_41 : i32
      %mul3A_44 = arith.constant 16 : i32
      %mul3A_45 = arith.muli %add3A_43, %mul3A_44 : i32
      %swap3A_46 = arith.index_cast %mul3A_45 : i32 to index
      %swap3A_47 = tpu.vector_load %arg11[%swap3A_46] {strides = array<i32>} : memref<8000xi32, #tpu.memory_space<vmem>>, vector<16xi32>,
      tpu.vector_store %arg11[%swap3A_46], %add3A_7 {strides = array<i32>} : memref<8000xi32, #tpu.memory_space<vmem>>, vector<16xi32>,
      %mul3A_48 = arith.constant 16 : i32
      %mul3A_49 = arith.muli %add3A_43, %mul3A_48 : i32
      %swap3A_50 = arith.index_cast %mul3A_49 : i32 to index
      %swap3A_51 = tpu.vector_load %arg12[%swap3A_50] {strides = array<i32>} : memref<8000xi32, #tpu.memory_space<vmem>>, vector<16xi32>,
      tpu.vector_store %arg12[%swap3A_50], %broadcast_in_dim3A_9 {strides = array<i32>} : memref<8000xi32, #tpu.memory_space<vmem>>, vector<16xi32>,
    }
    %scan3A_13 = arith.constant 500 : i32
    %dma_start3A = arith.constant 0 : i32
    %dma_start3A_14 = tpu.memref_slice %arg2[%dma_start3A] : memref<320000xi32, #tpu.memory_space<hbm>> -> memref<8000xi32, #tpu.memory_space<hbm>>
    %dma_start3A_15 = arith.constant 0 : i32
    %dma_start3A_16 = tpu.memref_slice %arg2[%dma_start3A_15] : memref<320000xi32, #tpu.memory_space<hbm>> -> memref<8000xi32, #tpu.memory_space<hbm>>
    tpu.enqueue_dma source(%dma_start3A_16 : memref<8000xi32, #tpu.memory_space<hbm>>) target(%arg7 : memref<8000xi32, #tpu.memory_space<vmem>>) target_semaphore(%arg14 : memref<!tpu.dma_semaphore, #tpu.memory_space<semaphore_mem>>)
    %dma_start3A_17 = arith.constant 0 : i32
    %dma_start3A_18 = tpu.memref_slice %arg3[%dma_start3A_17] : memref<320000xi32, #tpu.memory_space<hbm>> -> memref<8000xi32, #tpu.memory_space<hbm>>
    %dma_start3A_19 = arith.constant 0 : i32
    %dma_start3A_20 = tpu.memref_slice %arg3[%dma_start3A_19] : memref<320000xi32, #tpu.memory_space<hbm>> -> memref<8000xi32, #tpu.memory_space<hbm>>
    tpu.enqueue_dma source(%dma_start3A_20 : memref<8000xi32, #tpu.memory_space<hbm>>) target(%arg9 : memref<8000xi32, #tpu.memory_space<vmem>>) target_semaphore(%arg14 : memref<!tpu.dma_semaphore, #tpu.memory_space<semaphore_mem>>)
    %scan3A_21 = arith.constant 0 : i32
    %scan3A_22 = arith.constant 0 : i32
    %scan3A_23 = arith.constant 20 : i32
    %scan3A_24 = arith.addi %scan3A_22, %scan3A_23 : i32
    %scan3A_25 = arith.constant 1 : i32
    %scan3A_26 = scf.for %scan3A_39 = %scan3A_22 to %scan3A_24 step %scan3A_25 iter_args(%scan3A_40 = %scan3A_21) -> (i32)  : i32 {
      %mul3A_41 = arith.constant 2 : i32
      %mul3A_42 = arith.muli %scan3A_39, %mul3A_41 : i32
      %add3A_43 = arith.constant 1 : i32
      %add3A_44 = arith.addi %mul3A_42, %add3A_43 : i32
      %mul3A_45 = arith.constant 8000 : i32
      %mul3A_46 = arith.muli %add3A_44, %mul3A_45 : i32
      %dma_start3A_47 = tpu.memref_slice %arg2[%mul3A_46] : memref<320000xi32, #tpu.memory_space<hbm>> -> memref<8000xi32, #tpu.memory_space<hbm>>
      %dma_start3A_48 = tpu.memref_slice %arg2[%mul3A_46] : memref<320000xi32, #tpu.memory_space<hbm>> -> memref<8000xi32, #tpu.memory_space<hbm>>
      tpu.enqueue_dma source(%dma_start3A_48 : memref<8000xi32, #tpu.memory_space<hbm>>) target(%arg8 : memref<8000xi32, #tpu.memory_space<vmem>>) target_semaphore(%arg15 : memref<!tpu.dma_semaphore, #tpu.memory_space<semaphore_mem>>)
      %mul3A_49 = arith.constant 8000 : i32
      %mul3A_50 = arith.muli %add3A_44, %mul3A_49 : i32
      %dma_start3A_51 = tpu.memref_slice %arg3[%mul3A_50] : memref<320000xi32, #tpu.memory_space<hbm>> -> memref<8000xi32, #tpu.memory_space<hbm>>
      %dma_start3A_52 = tpu.memref_slice %arg3[%mul3A_50] : memref<320000xi32, #tpu.memory_space<hbm>> -> memref<8000xi32, #tpu.memory_space<hbm>>
      tpu.enqueue_dma source(%dma_start3A_52 : memref<8000xi32, #tpu.memory_space<hbm>>) target(%arg10 : memref<8000xi32, #tpu.memory_space<vmem>>) target_semaphore(%arg15 : memref<!tpu.dma_semaphore, #tpu.memory_space<semaphore_mem>>)
      %mul3A_53 = arith.constant 8000 : i32
      %mul3A_54 = arith.muli %mul3A_42, %mul3A_53 : i32
      %dma_wait3A = tpu.memref_slice %arg2[%mul3A_54] : memref<320000xi32, #tpu.memory_space<hbm>> -> memref<8000xi32, #tpu.memory_space<hbm>>
      %dma_wait3A_55 = tpu.memref_slice %arg2[%mul3A_54] : memref<320000xi32, #tpu.memory_space<hbm>> -> memref<8000xi32, #tpu.memory_space<hbm>>
      tpu.wait_dma2 semaphore(%arg14 : memref<!tpu.dma_semaphore, #tpu.memory_space<semaphore_mem>>) src(%dma_wait3A_55 : memref<8000xi32, #tpu.memory_space<hbm>>) dst(%arg7 : memref<8000xi32, #tpu.memory_space<vmem>>)
      %mul3A_56 = arith.constant 8000 : i32
      %mul3A_57 = arith.muli %mul3A_42, %mul3A_56 : i32
      %dma_wait3A_58 = tpu.memref_slice %arg3[%mul3A_57] : memref<320000xi32, #tpu.memory_space<hbm>> -> memref<8000xi32, #tpu.memory_space<hbm>>
      %dma_wait3A_59 = tpu.memref_slice %arg3[%mul3A_57] : memref<320000xi32, #tpu.memory_space<hbm>> -> memref<8000xi32, #tpu.memory_space<hbm>>
      tpu.wait_dma2 semaphore(%arg14 : memref<!tpu.dma_semaphore, #tpu.memory_space<semaphore_mem>>) src(%dma_wait3A_59 : memref<8000xi32, #tpu.memory_space<hbm>>) dst(%arg9 : memref<8000xi32, #tpu.memory_space<vmem>>)
      %broadcast_in_dim3A_60 = arith.constant 0 : i32
      %broadcast_in_dim3A_61 = vector.broadcast %broadcast_in_dim3A_60 : i32 to vector<16xi32>
      %scan3A_62 = arith.constant 0 : i32
      %scan3A_63 = arith.constant 496 : i32
      %scan3A_64 = arith.addi %scan3A_62, %scan3A_63 : i32
      %scan3A_65 = arith.constant 8 : i32
      %scan3A_66 = scf.for %scan3A_320 = %scan3A_62 to %scan3A_64 step %scan3A_65 iter_args(%scan3A_321 = %broadcast_in_dim3A_61) -> (vector<16xi32>)  : i32 {
        %mul3A_322 = arith.constant 16 : i32
        %mul3A_323 = arith.muli %scan3A_320, %mul3A_322 : i32
        %get3A_324 = arith.index_cast %mul3A_323 : i32 to index
        %get3A_325 = tpu.vector_load %arg9[%get3A_324] {strides = array<i32>} : memref<8000xi32, #tpu.memory_space<vmem>>, vector<16xi32>,
        %mul3A_326 = arith.constant 16 : i32
        %mul3A_327 = arith.muli %scan3A_320, %mul3A_326 : i32
        %get3A_328 = arith.index_cast %mul3A_327 : i32 to index
        %get3A_329 = tpu.vector_load %arg7[%get3A_328] {strides = array<i32>} : memref<8000xi32, #tpu.memory_space<vmem>>, vector<16xi32>,
        %ge3A_330 = vector.broadcast %mul3A_2 : i32 to vector<16xi32>
        %ge3A_331 = arith.cmpi sge, %get3A_325, %ge3A_330 : vector<16xi32>
        %lt3A_332 = vector.broadcast %add3A_4 : i32 to vector<16xi32>
        %lt3A_333 = arith.cmpi slt, %get3A_325, %lt3A_332 : vector<16xi32>
        %and3A_334 = arith.andi %ge3A_331, %lt3A_333 : vector<16xi1>
        %convert_element_type3A_335 = arith.extui %and3A_334 : vector<16xi1> to vector<16xi32>
        %broadcast_in_dim3A_336 = arith.constant true
        %broadcast_in_dim3A_337 = vector.broadcast %broadcast_in_dim3A_336 : i1 to vector<16xi1>
        %masked_cumsum3A_338 = tpu.scan <sum>, %convert_element_type3A_335 masked %broadcast_in_dim3A_337 : vector<16xi32>, vector<16xi1> -> vector<16xi32>
        %sub3A_339 = arith.constant 1 : i32
        %sub3A_340 = vector.broadcast %sub3A_339 : i32 to vector<16xi32>
        %sub3A_341 = arith.subi %scan3A_321, %sub3A_340 : vector<16xi32>
        %add3A_342 = arith.addi %masked_cumsum3A_338, %sub3A_341 : vector<16xi32>
        tpu.vector_store_idx %arg11[%add3A_342], %get3A_329 masked %and3A_334 : memref<8000xi32, #tpu.memory_space<vmem>>[vector<16xi32>], vector<16xi32>, vector<16xi1>
        %sub3A_343 = vector.broadcast %mul3A_2 : i32 to vector<16xi32>
        %sub3A_344 = arith.subi %get3A_325, %sub3A_343 : vector<16xi32>
        tpu.vector_store_idx %arg12[%add3A_342], %sub3A_344 masked %and3A_334 : memref<8000xi32, #tpu.memory_space<vmem>>[vector<16xi32>], vector<16xi32>, vector<16xi1>
        %all_reduce_population_count3A_345 = tpu.all_reduce %and3A_334 {dim = 0 : i64, kind = #tpu.reduction_kind<sum>} : vector<16xi1> -> vector<16xi32>
        %add3A_346 = arith.addi %scan3A_321, %all_reduce_population_count3A_345 : vector<16xi32>
        %scan3A_347 = arith.constant 1 : i32
        %scan3A_348 = arith.addi %scan3A_320, %scan3A_347 : i32
        %mul3A_349 = arith.constant 16 : i32
        %mul3A_350 = arith.muli %scan3A_348, %mul3A_349 : i32
        %get3A_351 = arith.index_cast %mul3A_350 : i32 to index
        %get3A_352 = tpu.vector_load %arg9[%get3A_351] {strides = array<i32>} : memref<8000xi32, #tpu.memory_space<vmem>>, vector<16xi32>,
        %mul3A_353 = arith.constant 16 : i32
        %mul3A_354 = arith.muli %scan3A_348, %mul3A_353 : i32
        %get3A_355 = arith.index_cast %mul3A_354 : i32 to index
        %get3A_356 = tpu.vector_load %arg7[%get3A_355] {strides = array<i32>} : memref<8000xi32, #tpu.memory_space<vmem>>, vector<16xi32>,
        %ge3A_357 = vector.broadcast %mul3A_2 : i32 to vector<16xi32>
        %ge3A_358 = arith.cmpi sge, %get3A_352, %ge3A_357 : vector<16xi32>
        %lt3A_359 = vector.broadcast %add3A_4 : i32 to vector<16xi32>
        %lt3A_360 = arith.cmpi slt, %get3A_352, %lt3A_359 : vector<16xi32>
        %and3A_361 = arith.andi %ge3A_358, %lt3A_360 : vector<16xi1>
        %convert_element_type3A_362 = arith.extui %and3A_361 : vector<16xi1> to vector<16xi32>
        %broadcast_in_dim3A_363 = arith.constant true
        %broadcast_in_dim3A_364 = vector.broadcast %broadcast_in_dim3A_363 : i1 to vector<16xi1>
        %masked_cumsum3A_365 = tpu.scan <sum>, %convert_element_type3A_362 masked %broadcast_in_dim3A_364 : vector<16xi32>, vector<16xi1> -> vector<16xi32>
        %sub3A_366 = arith.constant 1 : i32
        %sub3A_367 = vector.broadcast %sub3A_366 : i32 to vector<16xi32>
        %sub3A_368 = arith.subi %add3A_346, %sub3A_367 : vector<16xi32>
        %add3A_369 = arith.addi %masked_cumsum3A_365, %sub3A_368 : vector<16xi32>
        tpu.vector_store_idx %arg11[%add3A_369], %get3A_356 masked %and3A_361 : memref<8000xi32, #tpu.memory_space<vmem>>[vector<16xi32>], vector<16xi32>, vector<16xi1>
        %sub3A_370 = vector.broadcast %mul3A_2 : i32 to vector<16xi32>
        %sub3A_371 = arith.subi %get3A_352, %sub3A_370 : vector<16xi32>
        tpu.vector_store_idx %arg12[%add3A_369], %sub3A_371 masked %and3A_361 : memref<8000xi32, #tpu.memory_space<vmem>>[vector<16xi32>], vector<16xi32>, vector<16xi1>
        %all_reduce_population_count3A_372 = tpu.all_reduce %and3A_361 {dim = 0 : i64, kind = #tpu.reduction_kind<sum>} : vector<16xi1> -> vector<16xi32>
        %add3A_373 = arith.addi %add3A_346, %all_reduce_population_count3A_372 : vector<16xi32>
        %scan3A_374 = arith.constant 2 : i32
        %scan3A_375 = arith.addi %scan3A_320, %scan3A_374 : i32
        %mul3A_376 = arith.constant 16 : i32
        %mul3A_377 = arith.muli %scan3A_375, %mul3A_376 : i32
        %get3A_378 = arith.index_cast %mul3A_377 : i32 to index
        %get3A_379 = tpu.vector_load %arg9[%get3A_378] {strides = array<i32>} : memref<8000xi32, #tpu.memory_space<vmem>>, vector<16xi32>,
        %mul3A_380 = arith.constant 16 : i32
        %mul3A_381 = arith.muli %scan3A_375, %mul3A_380 : i32
        %get3A_382 = arith.index_cast %mul3A_381 : i32 to index
        %get3A_383 = tpu.vector_load %arg7[%get3A_382] {strides = array<i32>} : memref<8000xi32, #tpu.memory_space<vmem>>, vector<16xi32>,
        %ge3A_384 = vector.broadcast %mul3A_2 : i32 to vector<16xi32>
        %ge3A_385 = arith.cmpi sge, %get3A_379, %ge3A_384 : vector<16xi32>
        %lt3A_386 = vector.broadcast %add3A_4 : i32 to vector<16xi32>
        %lt3A_387 = arith.cmpi slt, %get3A_379, %lt3A_386 : vector<16xi32>
        %and3A_388 = arith.andi %ge3A_385, %lt3A_387 : vector<16xi1>
        %convert_element_type3A_389 = arith.extui %and3A_388 : vector<16xi1> to vector<16xi32>
        %broadcast_in_dim3A_390 = arith.constant true
        %broadcast_in_dim3A_391 = vector.broadcast %broadcast_in_dim3A_390 : i1 to vector<16xi1>
        %masked_cumsum3A_392 = tpu.scan <sum>, %convert_element_type3A_389 masked %broadcast_in_dim3A_391 : vector<16xi32>, vector<16xi1> -> vector<16xi32>
        %sub3A_393 = arith.constant 1 : i32
        %sub3A_394 = vector.broadcast %sub3A_393 : i32 to vector<16xi32>
        %sub3A_395 = arith.subi %add3A_373, %sub3A_394 : vector<16xi32>
        %add3A_396 = arith.addi %masked_cumsum3A_392, %sub3A_395 : vector<16xi32>
        tpu.vector_store_idx %arg11[%add3A_396], %get3A_383 masked %and3A_388 : memref<8000xi32, #tpu.memory_space<vmem>>[vector<16xi32>], vector<16xi32>, vector<16xi1>
        %sub3A_397 = vector.broadcast %mul3A_2 : i32 to vector<16xi32>
        %sub3A_398 = arith.subi %get3A_379, %sub3A_397 : vector<16xi32>
        tpu.vector_store_idx %arg12[%add3A_396], %sub3A_398 masked %and3A_388 : memref<8000xi32, #tpu.memory_space<vmem>>[vector<16xi32>], vector<16xi32>, vector<16xi1>
        %all_reduce_population_count3A_399 = tpu.all_reduce %and3A_388 {dim = 0 : i64, kind = #tpu.reduction_kind<sum>} : vector<16xi1> -> vector<16xi32>
        %add3A_400 = arith.addi %add3A_373, %all_reduce_population_count3A_399 : vector<16xi32>
        %scan3A_401 = arith.constant 3 : i32
        %scan3A_402 = arith.addi %scan3A_320, %scan3A_401 : i32
        %mul3A_403 = arith.constant 16 : i32
        %mul3A_404 = arith.muli %scan3A_402, %mul3A_403 : i32
        %get3A_405 = arith.index_cast %mul3A_404 : i32 to index
        %get3A_406 = tpu.vector_load %arg9[%get3A_405] {strides = array<i32>} : memref<8000xi32, #tpu.memory_space<vmem>>, vector<16xi32>,
        %mul3A_407 = arith.constant 16 : i32
        %mul3A_408 = arith.muli %scan3A_402, %mul3A_407 : i32
        %get3A_409 = arith.index_cast %mul3A_408 : i32 to index
        %get3A_410 = tpu.vector_load %arg7[%get3A_409] {strides = array<i32>} : memref<8000xi32, #tpu.memory_space<vmem>>, vector<16xi32>,
        %ge3A_411 = vector.broadcast %mul3A_2 : i32 to vector<16xi32>
        %ge3A_412 = arith.cmpi sge, %get3A_406, %ge3A_411 : vector<16xi32>
        %lt3A_413 = vector.broadcast %add3A_4 : i32 to vector<16xi32>
        %lt3A_414 = arith.cmpi slt, %get3A_406, %lt3A_413 : vector<16xi32>
        %and3A_415 = arith.andi %ge3A_412, %lt3A_414 : vector<16xi1>
        %convert_element_type3A_416 = arith.extui %and3A_415 : vector<16xi1> to vector<16xi32>
        %broadcast_in_dim3A_417 = arith.constant true
        %broadcast_in_dim3A_418 = vector.broadcast %broadcast_in_dim3A_417 : i1 to vector<16xi1>
        %masked_cumsum3A_419 = tpu.scan <sum>, %convert_element_type3A_416 masked %broadcast_in_dim3A_418 : vector<16xi32>, vector<16xi1> -> vector<16xi32>
        %sub3A_420 = arith.constant 1 : i32
        %sub3A_421 = vector.broadcast %sub3A_420 : i32 to vector<16xi32>
        %sub3A_422 = arith.subi %add3A_400, %sub3A_421 : vector<16xi32>
        %add3A_423 = arith.addi %masked_cumsum3A_419, %sub3A_422 : vector<16xi32>
        tpu.vector_store_idx %arg11[%add3A_423], %get3A_410 masked %and3A_415 : memref<8000xi32, #tpu.memory_space<vmem>>[vector<16xi32>], vector<16xi32>, vector<16xi1>
        %sub3A_424 = vector.broadcast %mul3A_2 : i32 to vector<16xi32>
        %sub3A_425 = arith.subi %get3A_406, %sub3A_424 : vector<16xi32>
        tpu.vector_store_idx %arg12[%add3A_423], %sub3A_425 masked %and3A_415 : memref<8000xi32, #tpu.memory_space<vmem>>[vector<16xi32>], vector<16xi32>, vector<16xi1>
        %all_reduce_population_count3A_426 = tpu.all_reduce %and3A_415 {dim = 0 : i64, kind = #tpu.reduction_kind<sum>} : vector<16xi1> -> vector<16xi32>
        %add3A_427 = arith.addi %add3A_400, %all_reduce_population_count3A_426 : vector<16xi32>
        %scan3A_428 = arith.constant 4 : i32
        %scan3A_429 = arith.addi %scan3A_320, %scan3A_428 : i32
        %mul3A_430 = arith.constant 16 : i32
        %mul3A_431 = arith.muli %scan3A_429, %mul3A_430 : i32
        %get3A_432 = arith.index_cast %mul3A_431 : i32 to index
        %get3A_433 = tpu.vector_load %arg9[%get3A_432] {strides = array<i32>} : memref<8000xi32, #tpu.memory_space<vmem>>, vector<16xi32>,
        %mul3A_434 = arith.constant 16 : i32
        %mul3A_435 = arith.muli %scan3A_429, %mul3A_434 : i32
        %get3A_436 = arith.index_cast %mul3A_435 : i32 to index
        %get3A_437 = tpu.vector_load %arg7[%get3A_436] {strides = array<i32>} : memref<8000xi32, #tpu.memory_space<vmem>>, vector<16xi32>,
        %ge3A_438 = vector.broadcast %mul3A_2 : i32 to vector<16xi32>
        %ge3A_439 = arith.cmpi sge, %get3A_433, %ge3A_438 : vector<16xi32>
        %lt3A_440 = vector.broadcast %add3A_4 : i32 to vector<16xi32>
        %lt3A_441 = arith.cmpi slt, %get3A_433, %lt3A_440 : vector<16xi32>
        %and3A_442 = arith.andi %ge3A_439, %lt3A_441 : vector<16xi1>
        %convert_element_type3A_443 = arith.extui %and3A_442 : vector<16xi1> to vector<16xi32>
        %broadcast_in_dim3A_444 = arith.constant true
        %broadcast_in_dim3A_445 = vector.broadcast %broadcast_in_dim3A_444 : i1 to vector<16xi1>
        %masked_cumsum3A_446 = tpu.scan <sum>, %convert_element_type3A_443 masked %broadcast_in_dim3A_445 : vector<16xi32>, vector<16xi1> -> vector<16xi32>
        %sub3A_447 = arith.constant 1 : i32
        %sub3A_448 = vector.broadcast %sub3A_447 : i32 to vector<16xi32>
        %sub3A_449 = arith.subi %add3A_427, %sub3A_448 : vector<16xi32>
        %add3A_450 = arith.addi %masked_cumsum3A_446, %sub3A_449 : vector<16xi32>
        tpu.vector_store_idx %arg11[%add3A_450], %get3A_437 masked %and3A_442 : memref<8000xi32, #tpu.memory_space<vmem>>[vector<16xi32>], vector<16xi32>, vector<16xi1>
        %sub3A_451 = vector.broadcast %mul3A_2 : i32 to vector<16xi32>
        %sub3A_452 = arith.subi %get3A_433, %sub3A_451 : vector<16xi32>
        tpu.vector_store_idx %arg12[%add3A_450], %sub3A_452 masked %and3A_442 : memref<8000xi32, #tpu.memory_space<vmem>>[vector<16xi32>], vector<16xi32>, vector<16xi1>
        %all_reduce_population_count3A_453 = tpu.all_reduce %and3A_442 {dim = 0 : i64, kind = #tpu.reduction_kind<sum>} : vector<16xi1> -> vector<16xi32>
        %add3A_454 = arith.addi %add3A_427, %all_reduce_population_count3A_453 : vector<16xi32>
        %scan3A_455 = arith.constant 5 : i32
        %scan3A_456 = arith.addi %scan3A_320, %scan3A_455 : i32
        %mul3A_457 = arith.constant 16 : i32
        %mul3A_458 = arith.muli %scan3A_456, %mul3A_457 : i32
        %get3A_459 = arith.index_cast %mul3A_458 : i32 to index
        %get3A_460 = tpu.vector_load %arg9[%get3A_459] {strides = array<i32>} : memref<8000xi32, #tpu.memory_space<vmem>>, vector<16xi32>,
        %mul3A_461 = arith.constant 16 : i32
        %mul3A_462 = arith.muli %scan3A_456, %mul3A_461 : i32
        %get3A_463 = arith.index_cast %mul3A_462 : i32 to index
        %get3A_464 = tpu.vector_load %arg7[%get3A_463] {strides = array<i32>} : memref<8000xi32, #tpu.memory_space<vmem>>, vector<16xi32>,
        %ge3A_465 = vector.broadcast %mul3A_2 : i32 to vector<16xi32>
        %ge3A_466 = arith.cmpi sge, %get3A_460, %ge3A_465 : vector<16xi32>
        %lt3A_467 = vector.broadcast %add3A_4 : i32 to vector<16xi32>
        %lt3A_468 = arith.cmpi slt, %get3A_460, %lt3A_467 : vector<16xi32>
        %and3A_469 = arith.andi %ge3A_466, %lt3A_468 : vector<16xi1>
        %convert_element_type3A_470 = arith.extui %and3A_469 : vector<16xi1> to vector<16xi32>
        %broadcast_in_dim3A_471 = arith.constant true
        %broadcast_in_dim3A_472 = vector.broadcast %broadcast_in_dim3A_471 : i1 to vector<16xi1>
        %masked_cumsum3A_473 = tpu.scan <sum>, %convert_element_type3A_470 masked %broadcast_in_dim3A_472 : vector<16xi32>, vector<16xi1> -> vector<16xi32>
        %sub3A_474 = arith.constant 1 : i32
        %sub3A_475 = vector.broadcast %sub3A_474 : i32 to vector<16xi32>
        %sub3A_476 = arith.subi %add3A_454, %sub3A_475 : vector<16xi32>
        %add3A_477 = arith.addi %masked_cumsum3A_473, %sub3A_476 : vector<16xi32>
        tpu.vector_store_idx %arg11[%add3A_477], %get3A_464 masked %and3A_469 : memref<8000xi32, #tpu.memory_space<vmem>>[vector<16xi32>], vector<16xi32>, vector<16xi1>
        %sub3A_478 = vector.broadcast %mul3A_2 : i32 to vector<16xi32>
        %sub3A_479 = arith.subi %get3A_460, %sub3A_478 : vector<16xi32>
        tpu.vector_store_idx %arg12[%add3A_477], %sub3A_479 masked %and3A_469 : memref<8000xi32, #tpu.memory_space<vmem>>[vector<16xi32>], vector<16xi32>, vector<16xi1>
        %all_reduce_population_count3A_480 = tpu.all_reduce %and3A_469 {dim = 0 : i64, kind = #tpu.reduction_kind<sum>} : vector<16xi1> -> vector<16xi32>
        %add3A_481 = arith.addi %add3A_454, %all_reduce_population_count3A_480 : vector<16xi32>
        %scan3A_482 = arith.constant 6 : i32
        %scan3A_483 = arith.addi %scan3A_320, %scan3A_482 : i32
        %mul3A_484 = arith.constant 16 : i32
        %mul3A_485 = arith.muli %scan3A_483, %mul3A_484 : i32
        %get3A_486 = arith.index_cast %mul3A_485 : i32 to index
        %get3A_487 = tpu.vector_load %arg9[%get3A_486] {strides = array<i32>} : memref<8000xi32, #tpu.memory_space<vmem>>, vector<16xi32>,
        %mul3A_488 = arith.constant 16 : i32
        %mul3A_489 = arith.muli %scan3A_483, %mul3A_488 : i32
        %get3A_490 = arith.index_cast %mul3A_489 : i32 to index
        %get3A_491 = tpu.vector_load %arg7[%get3A_490] {strides = array<i32>} : memref<8000xi32, #tpu.memory_space<vmem>>, vector<16xi32>,
        %ge3A_492 = vector.broadcast %mul3A_2 : i32 to vector<16xi32>
        %ge3A_493 = arith.cmpi sge, %get3A_487, %ge3A_492 : vector<16xi32>
        %lt3A_494 = vector.broadcast %add3A_4 : i32 to vector<16xi32>
        %lt3A_495 = arith.cmpi slt, %get3A_487, %lt3A_494 : vector<16xi32>
        %and3A_496 = arith.andi %ge3A_493, %lt3A_495 : vector<16xi1>
        %convert_element_type3A_497 = arith.extui %and3A_496 : vector<16xi1> to vector<16xi32>
        %broadcast_in_dim3A_498 = arith.constant true
        %broadcast_in_dim3A_499 = vector.broadcast %broadcast_in_dim3A_498 : i1 to vector<16xi1>
        %masked_cumsum3A_500 = tpu.scan <sum>, %convert_element_type3A_497 masked %broadcast_in_dim3A_499 : vector<16xi32>, vector<16xi1> -> vector<16xi32>
        %sub3A_501 = arith.constant 1 : i32
        %sub3A_502 = vector.broadcast %sub3A_501 : i32 to vector<16xi32>
        %sub3A_503 = arith.subi %add3A_481, %sub3A_502 : vector<16xi32>
        %add3A_504 = arith.addi %masked_cumsum3A_500, %sub3A_503 : vector<16xi32>
        tpu.vector_store_idx %arg11[%add3A_504], %get3A_491 masked %and3A_496 : memref<8000xi32, #tpu.memory_space<vmem>>[vector<16xi32>], vector<16xi32>, vector<16xi1>
        %sub3A_505 = vector.broadcast %mul3A_2 : i32 to vector<16xi32>
        %sub3A_506 = arith.subi %get3A_487, %sub3A_505 : vector<16xi32>
        tpu.vector_store_idx %arg12[%add3A_504], %sub3A_506 masked %and3A_496 : memref<8000xi32, #tpu.memory_space<vmem>>[vector<16xi32>], vector<16xi32>, vector<16xi1>
        %all_reduce_population_count3A_507 = tpu.all_reduce %and3A_496 {dim = 0 : i64, kind = #tpu.reduction_kind<sum>} : vector<16xi1> -> vector<16xi32>
        %add3A_508 = arith.addi %add3A_481, %all_reduce_population_count3A_507 : vector<16xi32>
        %scan3A_509 = arith.constant 7 : i32
        %scan3A_510 = arith.addi %scan3A_320, %scan3A_509 : i32
        %mul3A_511 = arith.constant 16 : i32
        %mul3A_512 = arith.muli %scan3A_510, %mul3A_511 : i32
        %get3A_513 = arith.index_cast %mul3A_512 : i32 to index
        %get3A_514 = tpu.vector_load %arg9[%get3A_513] {strides = array<i32>} : memref<8000xi32, #tpu.memory_space<vmem>>, vector<16xi32>,
        %mul3A_515 = arith.constant 16 : i32
        %mul3A_516 = arith.muli %scan3A_510, %mul3A_515 : i32
        %get3A_517 = arith.index_cast %mul3A_516 : i32 to index
        %get3A_518 = tpu.vector_load %arg7[%get3A_517] {strides = array<i32>} : memref<8000xi32, #tpu.memory_space<vmem>>, vector<16xi32>,
        %ge3A_519 = vector.broadcast %mul3A_2 : i32 to vector<16xi32>
        %ge3A_520 = arith.cmpi sge, %get3A_514, %ge3A_519 : vector<16xi32>
        %lt3A_521 = vector.broadcast %add3A_4 : i32 to vector<16xi32>
        %lt3A_522 = arith.cmpi slt, %get3A_514, %lt3A_521 : vector<16xi32>
        %and3A_523 = arith.andi %ge3A_520, %lt3A_522 : vector<16xi1>
        %convert_element_type3A_524 = arith.extui %and3A_523 : vector<16xi1> to vector<16xi32>
        %broadcast_in_dim3A_525 = arith.constant true
        %broadcast_in_dim3A_526 = vector.broadcast %broadcast_in_dim3A_525 : i1 to vector<16xi1>
        %masked_cumsum3A_527 = tpu.scan <sum>, %convert_element_type3A_524 masked %broadcast_in_dim3A_526 : vector<16xi32>, vector<16xi1> -> vector<16xi32>
        %sub3A_528 = arith.constant 1 : i32
        %sub3A_529 = vector.broadcast %sub3A_528 : i32 to vector<16xi32>
        %sub3A_530 = arith.subi %add3A_508, %sub3A_529 : vector<16xi32>
        %add3A_531 = arith.addi %masked_cumsum3A_527, %sub3A_530 : vector<16xi32>
        tpu.vector_store_idx %arg11[%add3A_531], %get3A_518 masked %and3A_523 : memref<8000xi32, #tpu.memory_space<vmem>>[vector<16xi32>], vector<16xi32>, vector<16xi1>
        %sub3A_532 = vector.broadcast %mul3A_2 : i32 to vector<16xi32>
        %sub3A_533 = arith.subi %get3A_514, %sub3A_532 : vector<16xi32>
        tpu.vector_store_idx %arg12[%add3A_531], %sub3A_533 masked %and3A_523 : memref<8000xi32, #tpu.memory_space<vmem>>[vector<16xi32>], vector<16xi32>, vector<16xi1>
        %all_reduce_population_count3A_534 = tpu.all_reduce %and3A_523 {dim = 0 : i64, kind = #tpu.reduction_kind<sum>} : vector<16xi1> -> vector<16xi32>
        %add3A_535 = arith.addi %add3A_508, %all_reduce_population_count3A_534 : vector<16xi32>
        scf.yield %add3A_535 : vector<16xi32>
      }
      %scan3A_67 = arith.constant 496 : i32
      %scan3A_68 = arith.addi %scan3A_62, %scan3A_67 : i32
      %mul3A_69 = arith.constant 16 : i32
      %mul3A_70 = arith.muli %scan3A_68, %mul3A_69 : i32
      %get3A = arith.index_cast %mul3A_70 : i32 to index
      %get3A_71 = tpu.vector_load %arg9[%get3A] {strides = array<i32>} : memref<8000xi32, #tpu.memory_space<vmem>>, vector<16xi32>,
      %mul3A_72 = arith.constant 16 : i32
      %mul3A_73 = arith.muli %scan3A_68, %mul3A_72 : i32
      %get3A_74 = arith.index_cast %mul3A_73 : i32 to index
      %get3A_75 = tpu.vector_load %arg7[%get3A_74] {strides = array<i32>} : memref<8000xi32, #tpu.memory_space<vmem>>, vector<16xi32>,
      %ge3A = vector.broadcast %mul3A_2 : i32 to vector<16xi32>
      %ge3A_76 = arith.cmpi sge, %get3A_71, %ge3A : vector<16xi32>
      %lt3A = vector.broadcast %add3A_4 : i32 to vector<16xi32>
      %lt3A_77 = arith.cmpi slt, %get3A_71, %lt3A : vector<16xi32>
      %and3A = arith.andi %ge3A_76, %lt3A_77 : vector<16xi1>
      %convert_element_type3A = arith.extui %and3A : vector<16xi1> to vector<16xi32>
      %broadcast_in_dim3A_78 = arith.constant true
      %broadcast_in_dim3A_79 = vector.broadcast %broadcast_in_dim3A_78 : i1 to vector<16xi1>
      %masked_cumsum3A = tpu.scan <sum>, %convert_element_type3A masked %broadcast_in_dim3A_79 : vector<16xi32>, vector<16xi1> -> vector<16xi32>
      %sub3A = arith.constant 1 : i32
      %sub3A_80 = vector.broadcast %sub3A : i32 to vector<16xi32>
      %sub3A_81 = arith.subi %scan3A_66, %sub3A_80 : vector<16xi32>
      %add3A_82 = arith.addi %masked_cumsum3A, %sub3A_81 : vector<16xi32>
      tpu.vector_store_idx %arg11[%add3A_82], %get3A_75 masked %and3A : memref<8000xi32, #tpu.memory_space<vmem>>[vector<16xi32>], vector<16xi32>, vector<16xi1>
      %sub3A_83 = vector.broadcast %mul3A_2 : i32 to vector<16xi32>
      %sub3A_84 = arith.subi %get3A_71, %sub3A_83 : vector<16xi32>
      tpu.vector_store_idx %arg12[%add3A_82], %sub3A_84 masked %and3A : memref<8000xi32, #tpu.memory_space<vmem>>[vector<16xi32>], vector<16xi32>, vector<16xi1>
      %all_reduce_population_count3A = tpu.all_reduce %and3A {dim = 0 : i64, kind = #tpu.reduction_kind<sum>} : vector<16xi1> -> vector<16xi32>
      %add3A_85 = arith.addi %scan3A_66, %all_reduce_population_count3A : vector<16xi32>
      %scan3A_86 = arith.constant 497 : i32
      %scan3A_87 = arith.addi %scan3A_62, %scan3A_86 : i32
      %mul3A_88 = arith.constant 16 : i32
      %mul3A_89 = arith.muli %scan3A_87, %mul3A_88 : i32
      %get3A_90 = arith.index_cast %mul3A_89 : i32 to index
      %get3A_91 = tpu.vector_load %arg9[%get3A_90] {strides = array<i32>} : memref<8000xi32, #tpu.memory_space<vmem>>, vector<16xi32>,
      %mul3A_92 = arith.constant 16 : i32
      %mul3A_93 = arith.muli %scan3A_87, %mul3A_92 : i32
      %get3A_94 = arith.index_cast %mul3A_93 : i32 to index
      %get3A_95 = tpu.vector_load %arg7[%get3A_94] {strides = array<i32>} : memref<8000xi32, #tpu.memory_space<vmem>>, vector<16xi32>,
      %ge3A_96 = vector.broadcast %mul3A_2 : i32 to vector<16xi32>
      %ge3A_97 = arith.cmpi sge, %get3A_91, %ge3A_96 : vector<16xi32>
      %lt3A_98 = vector.broadcast %add3A_4 : i32 to vector<16xi32>
      %lt3A_99 = arith.cmpi slt, %get3A_91, %lt3A_98 : vector<16xi32>
      %and3A_100 = arith.andi %ge3A_97, %lt3A_99 : vector<16xi1>
      %convert_element_type3A_101 = arith.extui %and3A_100 : vector<16xi1> to vector<16xi32>
      %broadcast_in_dim3A_102 = arith.constant true
      %broadcast_in_dim3A_103 = vector.broadcast %broadcast_in_dim3A_102 : i1 to vector<16xi1>
      %masked_cumsum3A_104 = tpu.scan <sum>, %convert_element_type3A_101 masked %broadcast_in_dim3A_103 : vector<16xi32>, vector<16xi1> -> vector<16xi32>
      %sub3A_105 = arith.constant 1 : i32
      %sub3A_106 = vector.broadcast %sub3A_105 : i32 to vector<16xi32>
      %sub3A_107 = arith.subi %add3A_85, %sub3A_106 : vector<16xi32>
      %add3A_108 = arith.addi %masked_cumsum3A_104, %sub3A_107 : vector<16xi32>
      tpu.vector_store_idx %arg11[%add3A_108], %get3A_95 masked %and3A_100 : memref<8000xi32, #tpu.memory_space<vmem>>[vector<16xi32>], vector<16xi32>, vector<16xi1>
      %sub3A_109 = vector.broadcast %mul3A_2 : i32 to vector<16xi32>
      %sub3A_110 = arith.subi %get3A_91, %sub3A_109 : vector<16xi32>
      tpu.vector_store_idx %arg12[%add3A_108], %sub3A_110 masked %and3A_100 : memref<8000xi32, #tpu.memory_space<vmem>>[vector<16xi32>], vector<16xi32>, vector<16xi1>
      %all_reduce_population_count3A_111 = tpu.all_reduce %and3A_100 {dim = 0 : i64, kind = #tpu.reduction_kind<sum>} : vector<16xi1> -> vector<16xi32>
      %add3A_112 = arith.addi %add3A_85, %all_reduce_population_count3A_111 : vector<16xi32>
      %scan3A_113 = arith.constant 498 : i32
      %scan3A_114 = arith.addi %scan3A_62, %scan3A_113 : i32
      %mul3A_115 = arith.constant 16 : i32
      %mul3A_116 = arith.muli %scan3A_114, %mul3A_115 : i32
      %get3A_117 = arith.index_cast %mul3A_116 : i32 to index
      %get3A_118 = tpu.vector_load %arg9[%get3A_117] {strides = array<i32>} : memref<8000xi32, #tpu.memory_space<vmem>>, vector<16xi32>,
      %mul3A_119 = arith.constant 16 : i32
      %mul3A_120 = arith.muli %scan3A_114, %mul3A_119 : i32
      %get3A_121 = arith.index_cast %mul3A_120 : i32 to index
      %get3A_122 = tpu.vector_load %arg7[%get3A_121] {strides = array<i32>} : memref<8000xi32, #tpu.memory_space<vmem>>, vector<16xi32>,
      %ge3A_123 = vector.broadcast %mul3A_2 : i32 to vector<16xi32>
      %ge3A_124 = arith.cmpi sge, %get3A_118, %ge3A_123 : vector<16xi32>
      %lt3A_125 = vector.broadcast %add3A_4 : i32 to vector<16xi32>
      %lt3A_126 = arith.cmpi slt, %get3A_118, %lt3A_125 : vector<16xi32>
      %and3A_127 = arith.andi %ge3A_124, %lt3A_126 : vector<16xi1>
      %convert_element_type3A_128 = arith.extui %and3A_127 : vector<16xi1> to vector<16xi32>
      %broadcast_in_dim3A_129 = arith.constant true
      %broadcast_in_dim3A_130 = vector.broadcast %broadcast_in_dim3A_129 : i1 to vector<16xi1>
      %masked_cumsum3A_131 = tpu.scan <sum>, %convert_element_type3A_128 masked %broadcast_in_dim3A_130 : vector<16xi32>, vector<16xi1> -> vector<16xi32>
      %sub3A_132 = arith.constant 1 : i32
      %sub3A_133 = vector.broadcast %sub3A_132 : i32 to vector<16xi32>
      %sub3A_134 = arith.subi %add3A_112, %sub3A_133 : vector<16xi32>
      %add3A_135 = arith.addi %masked_cumsum3A_131, %sub3A_134 : vector<16xi32>
      tpu.vector_store_idx %arg11[%add3A_135], %get3A_122 masked %and3A_127 : memref<8000xi32, #tpu.memory_space<vmem>>[vector<16xi32>], vector<16xi32>, vector<16xi1>
      %sub3A_136 = vector.broadcast %mul3A_2 : i32 to vector<16xi32>
      %sub3A_137 = arith.subi %get3A_118, %sub3A_136 : vector<16xi32>
      tpu.vector_store_idx %arg12[%add3A_135], %sub3A_137 masked %and3A_127 : memref<8000xi32, #tpu.memory_space<vmem>>[vector<16xi32>], vector<16xi32>, vector<16xi1>
      %all_reduce_population_count3A_138 = tpu.all_reduce %and3A_127 {dim = 0 : i64, kind = #tpu.reduction_kind<sum>} : vector<16xi1> -> vector<16xi32>
      %add3A_139 = arith.addi %add3A_112, %all_reduce_population_count3A_138 : vector<16xi32>
      %scan3A_140 = arith.constant 499 : i32
      %scan3A_141 = arith.addi %scan3A_62, %scan3A_140 : i32
      %mul3A_142 = arith.constant 16 : i32
      %mul3A_143 = arith.muli %scan3A_141, %mul3A_142 : i32
      %get3A_144 = arith.index_cast %mul3A_143 : i32 to index
      %get3A_145 = tpu.vector_load %arg9[%get3A_144] {strides = array<i32>} : memref<8000xi32, #tpu.memory_space<vmem>>, vector<16xi32>,
      %mul3A_146 = arith.constant 16 : i32
      %mul3A_147 = arith.muli %scan3A_141, %mul3A_146 : i32
      %get3A_148 = arith.index_cast %mul3A_147 : i32 to index
      %get3A_149 = tpu.vector_load %arg7[%get3A_148] {strides = array<i32>} : memref<8000xi32, #tpu.memory_space<vmem>>, vector<16xi32>,
      %ge3A_150 = vector.broadcast %mul3A_2 : i32 to vector<16xi32>
      %ge3A_151 = arith.cmpi sge, %get3A_145, %ge3A_150 : vector<16xi32>
      %lt3A_152 = vector.broadcast %add3A_4 : i32 to vector<16xi32>
      %lt3A_153 = arith.cmpi slt, %get3A_145, %lt3A_152 : vector<16xi32>
      %and3A_154 = arith.andi %ge3A_151, %lt3A_153 : vector<16xi1>
      %convert_element_type3A_155 = arith.extui %and3A_154 : vector<16xi1> to vector<16xi32>
      %broadcast_in_dim3A_156 = arith.constant true
      %broadcast_in_dim3A_157 = vector.broadcast %broadcast_in_dim3A_156 : i1 to vector<16xi1>
      %masked_cumsum3A_158 = tpu.scan <sum>, %convert_element_type3A_155 masked %broadcast_in_dim3A_157 : vector<16xi32>, vector<16xi1> -> vector<16xi32>
      %sub3A_159 = arith.constant 1 : i32
      %sub3A_160 = vector.broadcast %sub3A_159 : i32 to vector<16xi32>
      %sub3A_161 = arith.subi %add3A_139, %sub3A_160 : vector<16xi32>
      %add3A_162 = arith.addi %masked_cumsum3A_158, %sub3A_161 : vector<16xi32>
      tpu.vector_store_idx %arg11[%add3A_162], %get3A_149 masked %and3A_154 : memref<8000xi32, #tpu.memory_space<vmem>>[vector<16xi32>], vector<16xi32>, vector<16xi1>
      %sub3A_163 = vector.broadcast %mul3A_2 : i32 to vector<16xi32>
      %sub3A_164 = arith.subi %get3A_145, %sub3A_163 : vector<16xi32>
      tpu.vector_store_idx %arg12[%add3A_162], %sub3A_164 masked %and3A_154 : memref<8000xi32, #tpu.memory_space<vmem>>[vector<16xi32>], vector<16xi32>, vector<16xi1>
      %all_reduce_population_count3A_165 = tpu.all_reduce %and3A_154 {dim = 0 : i64, kind = #tpu.reduction_kind<sum>} : vector<16xi1> -> vector<16xi32>
      %add3A_166 = arith.addi %add3A_139, %all_reduce_population_count3A_165 : vector<16xi32>
      %scan3A_167 = arith.constant 500 : i32
      %slice3A = vector.extract_strided_slice %add3A_166 {offsets = [0], sizes = [1], strides = [1]} : vector<16xi32> to vector<1xi32>
      %squeeze3A = vector.extract %slice3A[0] : i32 from vector<1xi32>
      %mul3A_168 = arith.constant 384000 : i32
      %mul3A_169 = arith.muli %add3A, %mul3A_168 : i32
      %add3A_170 = arith.addi %mul3A_169, %scan3A_40 : i32
      %multiple_of3A_171 = tpu.assume_multiple %add3A_170, 16 : i32
      "tpu.region"() ({
        %run_scoped3A = tpu.sem_alloc : memref<!tpu.dma_semaphore, #tpu.memory_space<semaphore_mem>>
        %dma_start3A_320 = tpu.memref_slice %arg5[%multiple_of3A_171] : memref<12288000xi32, #tpu.memory_space<hbm>> -> memref<8000xi32, #tpu.memory_space<hbm>>
        %dma_start3A_321 = tpu.memref_slice %arg5[%multiple_of3A_171] : memref<12288000xi32, #tpu.memory_space<hbm>> -> memref<8000xi32, #tpu.memory_space<hbm>>
        tpu.enqueue_dma source(%arg11 : memref<8000xi32, #tpu.memory_space<vmem>>) target(%dma_start3A_321 : memref<8000xi32, #tpu.memory_space<hbm>>) target_semaphore(%run_scoped3A : memref<!tpu.dma_semaphore, #tpu.memory_space<semaphore_mem>>)
        %dma_wait3A_322 = tpu.memref_slice %arg5[%multiple_of3A_171] : memref<12288000xi32, #tpu.memory_space<hbm>> -> memref<8000xi32, #tpu.memory_space<hbm>>
        %dma_wait3A_323 = tpu.memref_slice %arg5[%multiple_of3A_171] : memref<12288000xi32, #tpu.memory_space<hbm>> -> memref<8000xi32, #tpu.memory_space<hbm>>
        tpu.wait_dma2 semaphore(%run_scoped3A : memref<!tpu.dma_semaphore, #tpu.memory_space<semaphore_mem>>) src(%arg11 : memref<8000xi32, #tpu.memory_space<vmem>>) dst(%dma_wait3A_323 : memref<8000xi32, #tpu.memory_space<hbm>>)
        tpu.yield
      }) : () -> ()
      "tpu.region"() ({
        %run_scoped3A = tpu.sem_alloc : memref<!tpu.dma_semaphore, #tpu.memory_space<semaphore_mem>>
        %dma_start3A_320 = tpu.memref_slice %arg6[%multiple_of3A_171] : memref<12288000xi32, #tpu.memory_space<hbm>> -> memref<8000xi32, #tpu.memory_space<hbm>>
        %dma_start3A_321 = tpu.memref_slice %arg6[%multiple_of3A_171] : memref<12288000xi32, #tpu.memory_space<hbm>> -> memref<8000xi32, #tpu.memory_space<hbm>>
        tpu.enqueue_dma source(%arg12 : memref<8000xi32, #tpu.memory_space<vmem>>) target(%dma_start3A_321 : memref<8000xi32, #tpu.memory_space<hbm>>) target_semaphore(%run_scoped3A : memref<!tpu.dma_semaphore, #tpu.memory_space<semaphore_mem>>)
        %dma_wait3A_322 = tpu.memref_slice %arg6[%multiple_of3A_171] : memref<12288000xi32, #tpu.memory_space<hbm>> -> memref<8000xi32, #tpu.memory_space<hbm>>
        %dma_wait3A_323 = tpu.memref_slice %arg6[%multiple_of3A_171] : memref<12288000xi32, #tpu.memory_space<hbm>> -> memref<8000xi32, #tpu.memory_space<hbm>>
        tpu.wait_dma2 semaphore(%run_scoped3A : memref<!tpu.dma_semaphore, #tpu.memory_space<semaphore_mem>>) src(%arg12 : memref<8000xi32, #tpu.memory_space<vmem>>) dst(%dma_wait3A_323 : memref<8000xi32, #tpu.memory_space<hbm>>)
        tpu.yield
      }) : () -> ()
      %add3A_172 = arith.constant 15 : i32
      %add3A_173 = arith.addi %squeeze3A, %add3A_172 : i32
      %and3A_174 = arith.constant -16 : i32
      %and3A_175 = arith.andi %add3A_173, %and3A_174 : i32
      %add3A_176 = arith.addi %scan3A_40, %and3A_175 : i32
      %add3A_177 = arith.constant 1 : i32
      %add3A_178 = arith.addi %scan3A_39, %add3A_177 : i32
      %lt3A_179 = arith.constant 20 : i32
      %lt3A_180 = arith.cmpi slt, %add3A_178, %lt3A_179 : i32
      %convert_element_type3A_181 = arith.extui %lt3A_180 : i1 to i32
      %cond3A = arith.constant 0 : i32
      %cond3A_182 = arith.cmpi ne, %convert_element_type3A_181, %cond3A : i32
      scf.if %cond3A_182 {
        %add3A_320 = arith.constant 2 : i32
        %add3A_321 = arith.addi %mul3A_42, %add3A_320 : i32
        %mul3A_322 = arith.constant 8000 : i32
        %mul3A_323 = arith.muli %add3A_321, %mul3A_322 : i32
        %dma_start3A_324 = tpu.memref_slice %arg2[%mul3A_323] : memref<320000xi32, #tpu.memory_space<hbm>> -> memref<8000xi32, #tpu.memory_space<hbm>>
        %dma_start3A_325 = tpu.memref_slice %arg2[%mul3A_323] : memref<320000xi32, #tpu.memory_space<hbm>> -> memref<8000xi32, #tpu.memory_space<hbm>>
        tpu.enqueue_dma source(%dma_start3A_325 : memref<8000xi32, #tpu.memory_space<hbm>>) target(%arg7 : memref<8000xi32, #tpu.memory_space<vmem>>) target_semaphore(%arg14 : memref<!tpu.dma_semaphore, #tpu.memory_space<semaphore_mem>>)
        %mul3A_326 = arith.constant 8000 : i32
        %mul3A_327 = arith.muli %add3A_321, %mul3A_326 : i32
        %dma_start3A_328 = tpu.memref_slice %arg3[%mul3A_327] : memref<320000xi32, #tpu.memory_space<hbm>> -> memref<8000xi32, #tpu.memory_space<hbm>>
        %dma_start3A_329 = tpu.memref_slice %arg3[%mul3A_327] : memref<320000xi32, #tpu.memory_space<hbm>> -> memref<8000xi32, #tpu.memory_space<hbm>>
        tpu.enqueue_dma source(%dma_start3A_329 : memref<8000xi32, #tpu.memory_space<hbm>>) target(%arg9 : memref<8000xi32, #tpu.memory_space<vmem>>) target_semaphore(%arg14 : memref<!tpu.dma_semaphore, #tpu.memory_space<semaphore_mem>>)
      } else {
      }
      %add3A_183 = arith.constant 1 : i32
      %add3A_184 = arith.addi %mul3A_42, %add3A_183 : i32
      %mul3A_185 = arith.constant 8000 : i32
      %mul3A_186 = arith.muli %add3A_184, %mul3A_185 : i32
      %dma_wait3A_187 = tpu.memref_slice %arg2[%mul3A_186] : memref<320000xi32, #tpu.memory_space<hbm>> -> memref<8000xi32, #tpu.memory_space<hbm>>
      %dma_wait3A_188 = tpu.memref_slice %arg2[%mul3A_186] : memref<320000xi32, #tpu.memory_space<hbm>> -> memref<8000xi32, #tpu.memory_space<hbm>>
      tpu.wait_dma2 semaphore(%arg15 : memref<!tpu.dma_semaphore, #tpu.memory_space<semaphore_mem>>) src(%dma_wait3A_188 : memref<8000xi32, #tpu.memory_space<hbm>>) dst(%arg8 : memref<8000xi32, #tpu.memory_space<vmem>>)
      %mul3A_189 = arith.constant 8000 : i32
      %mul3A_190 = arith.muli %add3A_184, %mul3A_189 : i32
      %dma_wait3A_191 = tpu.memref_slice %arg3[%mul3A_190] : memref<320000xi32, #tpu.memory_space<hbm>> -> memref<8000xi32, #tpu.memory_space<hbm>>
      %dma_wait3A_192 = tpu.memref_slice %arg3[%mul3A_190] : memref<320000xi32, #tpu.memory_space<hbm>> -> memref<8000xi32, #tpu.memory_space<hbm>>
      tpu.wait_dma2 semaphore(%arg15 : memref<!tpu.dma_semaphore, #tpu.memory_space<semaphore_mem>>) src(%dma_wait3A_192 : memref<8000xi32, #tpu.memory_space<hbm>>) dst(%arg10 : memref<8000xi32, #tpu.memory_space<vmem>>)
      %broadcast_in_dim3A_193 = arith.constant 0 : i32
      %broadcast_in_dim3A_194 = vector.broadcast %broadcast_in_dim3A_193 : i32 to vector<16xi32>
      %scan3A_195 = arith.constant 0 : i32
      %scan3A_196 = arith.constant 496 : i32
      %scan3A_197 = arith.addi %scan3A_195, %scan3A_196 : i32
      %scan3A_198 = arith.constant 8 : i32
      %scan3A_199 = scf.for %scan3A_320 = %scan3A_195 to %scan3A_197 step %scan3A_198 iter_args(%scan3A_321 = %broadcast_in_dim3A_194) -> (vector<16xi32>)  : i32 {
        %mul3A_322 = arith.constant 16 : i32
        %mul3A_323 = arith.muli %scan3A_320, %mul3A_322 : i32
        %get3A_324 = arith.index_cast %mul3A_323 : i32 to index
        %get3A_325 = tpu.vector_load %arg10[%get3A_324] {strides = array<i32>} : memref<8000xi32, #tpu.memory_space<vmem>>, vector<16xi32>,
        %mul3A_326 = arith.constant 16 : i32
        %mul3A_327 = arith.muli %scan3A_320, %mul3A_326 : i32
        %get3A_328 = arith.index_cast %mul3A_327 : i32 to index
        %get3A_329 = tpu.vector_load %arg8[%get3A_328] {strides = array<i32>} : memref<8000xi32, #tpu.memory_space<vmem>>, vector<16xi32>,
        %ge3A_330 = vector.broadcast %mul3A_2 : i32 to vector<16xi32>
        %ge3A_331 = arith.cmpi sge, %get3A_325, %ge3A_330 : vector<16xi32>
        %lt3A_332 = vector.broadcast %add3A_4 : i32 to vector<16xi32>
        %lt3A_333 = arith.cmpi slt, %get3A_325, %lt3A_332 : vector<16xi32>
        %and3A_334 = arith.andi %ge3A_331, %lt3A_333 : vector<16xi1>
        %convert_element_type3A_335 = arith.extui %and3A_334 : vector<16xi1> to vector<16xi32>
        %broadcast_in_dim3A_336 = arith.constant true
        %broadcast_in_dim3A_337 = vector.broadcast %broadcast_in_dim3A_336 : i1 to vector<16xi1>
        %masked_cumsum3A_338 = tpu.scan <sum>, %convert_element_type3A_335 masked %broadcast_in_dim3A_337 : vector<16xi32>, vector<16xi1> -> vector<16xi32>
        %sub3A_339 = arith.constant 1 : i32
        %sub3A_340 = vector.broadcast %sub3A_339 : i32 to vector<16xi32>
        %sub3A_341 = arith.subi %scan3A_321, %sub3A_340 : vector<16xi32>
        %add3A_342 = arith.addi %masked_cumsum3A_338, %sub3A_341 : vector<16xi32>
        tpu.vector_store_idx %arg11[%add3A_342], %get3A_329 masked %and3A_334 : memref<8000xi32, #tpu.memory_space<vmem>>[vector<16xi32>], vector<16xi32>, vector<16xi1>
        %sub3A_343 = vector.broadcast %mul3A_2 : i32 to vector<16xi32>
        %sub3A_344 = arith.subi %get3A_325, %sub3A_343 : vector<16xi32>
        tpu.vector_store_idx %arg12[%add3A_342], %sub3A_344 masked %and3A_334 : memref<8000xi32, #tpu.memory_space<vmem>>[vector<16xi32>], vector<16xi32>, vector<16xi1>
        %all_reduce_population_count3A_345 = tpu.all_reduce %and3A_334 {dim = 0 : i64, kind = #tpu.reduction_kind<sum>} : vector<16xi1> -> vector<16xi32>
        %add3A_346 = arith.addi %scan3A_321, %all_reduce_population_count3A_345 : vector<16xi32>
        %scan3A_347 = arith.constant 1 : i32
        %scan3A_348 = arith.addi %scan3A_320, %scan3A_347 : i32
        %mul3A_349 = arith.constant 16 : i32
        %mul3A_350 = arith.muli %scan3A_348, %mul3A_349 : i32
        %get3A_351 = arith.index_cast %mul3A_350 : i32 to index
        %get3A_352 = tpu.vector_load %arg10[%get3A_351] {strides = array<i32>} : memref<8000xi32, #tpu.memory_space<vmem>>, vector<16xi32>,
        %mul3A_353 = arith.constant 16 : i32
        %mul3A_354 = arith.muli %scan3A_348, %mul3A_353 : i32
        %get3A_355 = arith.index_cast %mul3A_354 : i32 to index
        %get3A_356 = tpu.vector_load %arg8[%get3A_355] {strides = array<i32>} : memref<8000xi32, #tpu.memory_space<vmem>>, vector<16xi32>,
        %ge3A_357 = vector.broadcast %mul3A_2 : i32 to vector<16xi32>
        %ge3A_358 = arith.cmpi sge, %get3A_352, %ge3A_357 : vector<16xi32>
        %lt3A_359 = vector.broadcast %add3A_4 : i32 to vector<16xi32>
        %lt3A_360 = arith.cmpi slt, %get3A_352, %lt3A_359 : vector<16xi32>
        %and3A_361 = arith.andi %ge3A_358, %lt3A_360 : vector<16xi1>
        %convert_element_type3A_362 = arith.extui %and3A_361 : vector<16xi1> to vector<16xi32>
        %broadcast_in_dim3A_363 = arith.constant true
        %broadcast_in_dim3A_364 = vector.broadcast %broadcast_in_dim3A_363 : i1 to vector<16xi1>
        %masked_cumsum3A_365 = tpu.scan <sum>, %convert_element_type3A_362 masked %broadcast_in_dim3A_364 : vector<16xi32>, vector<16xi1> -> vector<16xi32>
        %sub3A_366 = arith.constant 1 : i32
        %sub3A_367 = vector.broadcast %sub3A_366 : i32 to vector<16xi32>
        %sub3A_368 = arith.subi %add3A_346, %sub3A_367 : vector<16xi32>
        %add3A_369 = arith.addi %masked_cumsum3A_365, %sub3A_368 : vector<16xi32>
        tpu.vector_store_idx %arg11[%add3A_369], %get3A_356 masked %and3A_361 : memref<8000xi32, #tpu.memory_space<vmem>>[vector<16xi32>], vector<16xi32>, vector<16xi1>
        %sub3A_370 = vector.broadcast %mul3A_2 : i32 to vector<16xi32>
        %sub3A_371 = arith.subi %get3A_352, %sub3A_370 : vector<16xi32>
        tpu.vector_store_idx %arg12[%add3A_369], %sub3A_371 masked %and3A_361 : memref<8000xi32, #tpu.memory_space<vmem>>[vector<16xi32>], vector<16xi32>, vector<16xi1>
        %all_reduce_population_count3A_372 = tpu.all_reduce %and3A_361 {dim = 0 : i64, kind = #tpu.reduction_kind<sum>} : vector<16xi1> -> vector<16xi32>
        %add3A_373 = arith.addi %add3A_346, %all_reduce_population_count3A_372 : vector<16xi32>
        %scan3A_374 = arith.constant 2 : i32
        %scan3A_375 = arith.addi %scan3A_320, %scan3A_374 : i32
        %mul3A_376 = arith.constant 16 : i32
        %mul3A_377 = arith.muli %scan3A_375, %mul3A_376 : i32
        %get3A_378 = arith.index_cast %mul3A_377 : i32 to index
        %get3A_379 = tpu.vector_load %arg10[%get3A_378] {strides = array<i32>} : memref<8000xi32, #tpu.memory_space<vmem>>, vector<16xi32>,
        %mul3A_380 = arith.constant 16 : i32
        %mul3A_381 = arith.muli %scan3A_375, %mul3A_380 : i32
        %get3A_382 = arith.index_cast %mul3A_381 : i32 to index
        %get3A_383 = tpu.vector_load %arg8[%get3A_382] {strides = array<i32>} : memref<8000xi32, #tpu.memory_space<vmem>>, vector<16xi32>,
        %ge3A_384 = vector.broadcast %mul3A_2 : i32 to vector<16xi32>
        %ge3A_385 = arith.cmpi sge, %get3A_379, %ge3A_384 : vector<16xi32>
        %lt3A_386 = vector.broadcast %add3A_4 : i32 to vector<16xi32>
        %lt3A_387 = arith.cmpi slt, %get3A_379, %lt3A_386 : vector<16xi32>
        %and3A_388 = arith.andi %ge3A_385, %lt3A_387 : vector<16xi1>
        %convert_element_type3A_389 = arith.extui %and3A_388 : vector<16xi1> to vector<16xi32>
        %broadcast_in_dim3A_390 = arith.constant true
        %broadcast_in_dim3A_391 = vector.broadcast %broadcast_in_dim3A_390 : i1 to vector<16xi1>
        %masked_cumsum3A_392 = tpu.scan <sum>, %convert_element_type3A_389 masked %broadcast_in_dim3A_391 : vector<16xi32>, vector<16xi1> -> vector<16xi32>
        %sub3A_393 = arith.constant 1 : i32
        %sub3A_394 = vector.broadcast %sub3A_393 : i32 to vector<16xi32>
        %sub3A_395 = arith.subi %add3A_373, %sub3A_394 : vector<16xi32>
        %add3A_396 = arith.addi %masked_cumsum3A_392, %sub3A_395 : vector<16xi32>
        tpu.vector_store_idx %arg11[%add3A_396], %get3A_383 masked %and3A_388 : memref<8000xi32, #tpu.memory_space<vmem>>[vector<16xi32>], vector<16xi32>, vector<16xi1>
        %sub3A_397 = vector.broadcast %mul3A_2 : i32 to vector<16xi32>
        %sub3A_398 = arith.subi %get3A_379, %sub3A_397 : vector<16xi32>
        tpu.vector_store_idx %arg12[%add3A_396], %sub3A_398 masked %and3A_388 : memref<8000xi32, #tpu.memory_space<vmem>>[vector<16xi32>], vector<16xi32>, vector<16xi1>
        %all_reduce_population_count3A_399 = tpu.all_reduce %and3A_388 {dim = 0 : i64, kind = #tpu.reduction_kind<sum>} : vector<16xi1> -> vector<16xi32>
        %add3A_400 = arith.addi %add3A_373, %all_reduce_population_count3A_399 : vector<16xi32>
        %scan3A_401 = arith.constant 3 : i32
        %scan3A_402 = arith.addi %scan3A_320, %scan3A_401 : i32
        %mul3A_403 = arith.constant 16 : i32
        %mul3A_404 = arith.muli %scan3A_402, %mul3A_403 : i32
        %get3A_405 = arith.index_cast %mul3A_404 : i32 to index
        %get3A_406 = tpu.vector_load %arg10[%get3A_405] {strides = array<i32>} : memref<8000xi32, #tpu.memory_space<vmem>>, vector<16xi32>,
        %mul3A_407 = arith.constant 16 : i32
        %mul3A_408 = arith.muli %scan3A_402, %mul3A_407 : i32
        %get3A_409 = arith.index_cast %mul3A_408 : i32 to index
        %get3A_410 = tpu.vector_load %arg8[%get3A_409] {strides = array<i32>} : memref<8000xi32, #tpu.memory_space<vmem>>, vector<16xi32>,
        %ge3A_411 = vector.broadcast %mul3A_2 : i32 to vector<16xi32>
        %ge3A_412 = arith.cmpi sge, %get3A_406, %ge3A_411 : vector<16xi32>
        %lt3A_413 = vector.broadcast %add3A_4 : i32 to vector<16xi32>
        %lt3A_414 = arith.cmpi slt, %get3A_406, %lt3A_413 : vector<16xi32>
        %and3A_415 = arith.andi %ge3A_412, %lt3A_414 : vector<16xi1>
        %convert_element_type3A_416 = arith.extui %and3A_415 : vector<16xi1> to vector<16xi32>
        %broadcast_in_dim3A_417 = arith.constant true
        %broadcast_in_dim3A_418 = vector.broadcast %broadcast_in_dim3A_417 : i1 to vector<16xi1>
        %masked_cumsum3A_419 = tpu.scan <sum>, %convert_element_type3A_416 masked %broadcast_in_dim3A_418 : vector<16xi32>, vector<16xi1> -> vector<16xi32>
        %sub3A_420 = arith.constant 1 : i32
        %sub3A_421 = vector.broadcast %sub3A_420 : i32 to vector<16xi32>
        %sub3A_422 = arith.subi %add3A_400, %sub3A_421 : vector<16xi32>
        %add3A_423 = arith.addi %masked_cumsum3A_419, %sub3A_422 : vector<16xi32>
        tpu.vector_store_idx %arg11[%add3A_423], %get3A_410 masked %and3A_415 : memref<8000xi32, #tpu.memory_space<vmem>>[vector<16xi32>], vector<16xi32>, vector<16xi1>
        %sub3A_424 = vector.broadcast %mul3A_2 : i32 to vector<16xi32>
        %sub3A_425 = arith.subi %get3A_406, %sub3A_424 : vector<16xi32>
        tpu.vector_store_idx %arg12[%add3A_423], %sub3A_425 masked %and3A_415 : memref<8000xi32, #tpu.memory_space<vmem>>[vector<16xi32>], vector<16xi32>, vector<16xi1>
        %all_reduce_population_count3A_426 = tpu.all_reduce %and3A_415 {dim = 0 : i64, kind = #tpu.reduction_kind<sum>} : vector<16xi1> -> vector<16xi32>
        %add3A_427 = arith.addi %add3A_400, %all_reduce_population_count3A_426 : vector<16xi32>
        %scan3A_428 = arith.constant 4 : i32
        %scan3A_429 = arith.addi %scan3A_320, %scan3A_428 : i32
        %mul3A_430 = arith.constant 16 : i32
        %mul3A_431 = arith.muli %scan3A_429, %mul3A_430 : i32
        %get3A_432 = arith.index_cast %mul3A_431 : i32 to index
        %get3A_433 = tpu.vector_load %arg10[%get3A_432] {strides = array<i32>} : memref<8000xi32, #tpu.memory_space<vmem>>, vector<16xi32>,
        %mul3A_434 = arith.constant 16 : i32
        %mul3A_435 = arith.muli %scan3A_429, %mul3A_434 : i32
        %get3A_436 = arith.index_cast %mul3A_435 : i32 to index
        %get3A_437 = tpu.vector_load %arg8[%get3A_436] {strides = array<i32>} : memref<8000xi32, #tpu.memory_space<vmem>>, vector<16xi32>,
        %ge3A_438 = vector.broadcast %mul3A_2 : i32 to vector<16xi32>
        %ge3A_439 = arith.cmpi sge, %get3A_433, %ge3A_438 : vector<16xi32>
        %lt3A_440 = vector.broadcast %add3A_4 : i32 to vector<16xi32>
        %lt3A_441 = arith.cmpi slt, %get3A_433, %lt3A_440 : vector<16xi32>
        %and3A_442 = arith.andi %ge3A_439, %lt3A_441 : vector<16xi1>
        %convert_element_type3A_443 = arith.extui %and3A_442 : vector<16xi1> to vector<16xi32>
        %broadcast_in_dim3A_444 = arith.constant true
        %broadcast_in_dim3A_445 = vector.broadcast %broadcast_in_dim3A_444 : i1 to vector<16xi1>
        %masked_cumsum3A_446 = tpu.scan <sum>, %convert_element_type3A_443 masked %broadcast_in_dim3A_445 : vector<16xi32>, vector<16xi1> -> vector<16xi32>
        %sub3A_447 = arith.constant 1 : i32
        %sub3A_448 = vector.broadcast %sub3A_447 : i32 to vector<16xi32>
        %sub3A_449 = arith.subi %add3A_427, %sub3A_448 : vector<16xi32>
        %add3A_450 = arith.addi %masked_cumsum3A_446, %sub3A_449 : vector<16xi32>
        tpu.vector_store_idx %arg11[%add3A_450], %get3A_437 masked %and3A_442 : memref<8000xi32, #tpu.memory_space<vmem>>[vector<16xi32>], vector<16xi32>, vector<16xi1>
        %sub3A_451 = vector.broadcast %mul3A_2 : i32 to vector<16xi32>
        %sub3A_452 = arith.subi %get3A_433, %sub3A_451 : vector<16xi32>
        tpu.vector_store_idx %arg12[%add3A_450], %sub3A_452 masked %and3A_442 : memref<8000xi32, #tpu.memory_space<vmem>>[vector<16xi32>], vector<16xi32>, vector<16xi1>
        %all_reduce_population_count3A_453 = tpu.all_reduce %and3A_442 {dim = 0 : i64, kind = #tpu.reduction_kind<sum>} : vector<16xi1> -> vector<16xi32>
        %add3A_454 = arith.addi %add3A_427, %all_reduce_population_count3A_453 : vector<16xi32>
        %scan3A_455 = arith.constant 5 : i32
        %scan3A_456 = arith.addi %scan3A_320, %scan3A_455 : i32
        %mul3A_457 = arith.constant 16 : i32
        %mul3A_458 = arith.muli %scan3A_456, %mul3A_457 : i32
        %get3A_459 = arith.index_cast %mul3A_458 : i32 to index
        %get3A_460 = tpu.vector_load %arg10[%get3A_459] {strides = array<i32>} : memref<8000xi32, #tpu.memory_space<vmem>>, vector<16xi32>,
        %mul3A_461 = arith.constant 16 : i32
        %mul3A_462 = arith.muli %scan3A_456, %mul3A_461 : i32
        %get3A_463 = arith.index_cast %mul3A_462 : i32 to index
        %get3A_464 = tpu.vector_load %arg8[%get3A_463] {strides = array<i32>} : memref<8000xi32, #tpu.memory_space<vmem>>, vector<16xi32>,
        %ge3A_465 = vector.broadcast %mul3A_2 : i32 to vector<16xi32>
        %ge3A_466 = arith.cmpi sge, %get3A_460, %ge3A_465 : vector<16xi32>
        %lt3A_467 = vector.broadcast %add3A_4 : i32 to vector<16xi32>
        %lt3A_468 = arith.cmpi slt, %get3A_460, %lt3A_467 : vector<16xi32>
        %and3A_469 = arith.andi %ge3A_466, %lt3A_468 : vector<16xi1>
        %convert_element_type3A_470 = arith.extui %and3A_469 : vector<16xi1> to vector<16xi32>
        %broadcast_in_dim3A_471 = arith.constant true
        %broadcast_in_dim3A_472 = vector.broadcast %broadcast_in_dim3A_471 : i1 to vector<16xi1>
        %masked_cumsum3A_473 = tpu.scan <sum>, %convert_element_type3A_470 masked %broadcast_in_dim3A_472 : vector<16xi32>, vector<16xi1> -> vector<16xi32>
        %sub3A_474 = arith.constant 1 : i32
        %sub3A_475 = vector.broadcast %sub3A_474 : i32 to vector<16xi32>
        %sub3A_476 = arith.subi %add3A_454, %sub3A_475 : vector<16xi32>
        %add3A_477 = arith.addi %masked_cumsum3A_473, %sub3A_476 : vector<16xi32>
        tpu.vector_store_idx %arg11[%add3A_477], %get3A_464 masked %and3A_469 : memref<8000xi32, #tpu.memory_space<vmem>>[vector<16xi32>], vector<16xi32>, vector<16xi1>
        %sub3A_478 = vector.broadcast %mul3A_2 : i32 to vector<16xi32>
        %sub3A_479 = arith.subi %get3A_460, %sub3A_478 : vector<16xi32>
        tpu.vector_store_idx %arg12[%add3A_477], %sub3A_479 masked %and3A_469 : memref<8000xi32, #tpu.memory_space<vmem>>[vector<16xi32>], vector<16xi32>, vector<16xi1>
        %all_reduce_population_count3A_480 = tpu.all_reduce %and3A_469 {dim = 0 : i64, kind = #tpu.reduction_kind<sum>} : vector<16xi1> -> vector<16xi32>
        %add3A_481 = arith.addi %add3A_454, %all_reduce_population_count3A_480 : vector<16xi32>
        %scan3A_482 = arith.constant 6 : i32
        %scan3A_483 = arith.addi %scan3A_320, %scan3A_482 : i32
        %mul3A_484 = arith.constant 16 : i32
        %mul3A_485 = arith.muli %scan3A_483, %mul3A_484 : i32
        %get3A_486 = arith.index_cast %mul3A_485 : i32 to index
        %get3A_487 = tpu.vector_load %arg10[%get3A_486] {strides = array<i32>} : memref<8000xi32, #tpu.memory_space<vmem>>, vector<16xi32>,
        %mul3A_488 = arith.constant 16 : i32
        %mul3A_489 = arith.muli %scan3A_483, %mul3A_488 : i32
        %get3A_490 = arith.index_cast %mul3A_489 : i32 to index
        %get3A_491 = tpu.vector_load %arg8[%get3A_490] {strides = array<i32>} : memref<8000xi32, #tpu.memory_space<vmem>>, vector<16xi32>,
        %ge3A_492 = vector.broadcast %mul3A_2 : i32 to vector<16xi32>
        %ge3A_493 = arith.cmpi sge, %get3A_487, %ge3A_492 : vector<16xi32>
        %lt3A_494 = vector.broadcast %add3A_4 : i32 to vector<16xi32>
        %lt3A_495 = arith.cmpi slt, %get3A_487, %lt3A_494 : vector<16xi32>
        %and3A_496 = arith.andi %ge3A_493, %lt3A_495 : vector<16xi1>
        %convert_element_type3A_497 = arith.extui %and3A_496 : vector<16xi1> to vector<16xi32>
        %broadcast_in_dim3A_498 = arith.constant true
        %broadcast_in_dim3A_499 = vector.broadcast %broadcast_in_dim3A_498 : i1 to vector<16xi1>
        %masked_cumsum3A_500 = tpu.scan <sum>, %convert_element_type3A_497 masked %broadcast_in_dim3A_499 : vector<16xi32>, vector<16xi1> -> vector<16xi32>
        %sub3A_501 = arith.constant 1 : i32
        %sub3A_502 = vector.broadcast %sub3A_501 : i32 to vector<16xi32>
        %sub3A_503 = arith.subi %add3A_481, %sub3A_502 : vector<16xi32>
        %add3A_504 = arith.addi %masked_cumsum3A_500, %sub3A_503 : vector<16xi32>
        tpu.vector_store_idx %arg11[%add3A_504], %get3A_491 masked %and3A_496 : memref<8000xi32, #tpu.memory_space<vmem>>[vector<16xi32>], vector<16xi32>, vector<16xi1>
        %sub3A_505 = vector.broadcast %mul3A_2 : i32 to vector<16xi32>
        %sub3A_506 = arith.subi %get3A_487, %sub3A_505 : vector<16xi32>
        tpu.vector_store_idx %arg12[%add3A_504], %sub3A_506 masked %and3A_496 : memref<8000xi32, #tpu.memory_space<vmem>>[vector<16xi32>], vector<16xi32>, vector<16xi1>
        %all_reduce_population_count3A_507 = tpu.all_reduce %and3A_496 {dim = 0 : i64, kind = #tpu.reduction_kind<sum>} : vector<16xi1> -> vector<16xi32>
        %add3A_508 = arith.addi %add3A_481, %all_reduce_population_count3A_507 : vector<16xi32>
        %scan3A_509 = arith.constant 7 : i32
        %scan3A_510 = arith.addi %scan3A_320, %scan3A_509 : i32
        %mul3A_511 = arith.constant 16 : i32
        %mul3A_512 = arith.muli %scan3A_510, %mul3A_511 : i32
        %get3A_513 = arith.index_cast %mul3A_512 : i32 to index
        %get3A_514 = tpu.vector_load %arg10[%get3A_513] {strides = array<i32>} : memref<8000xi32, #tpu.memory_space<vmem>>, vector<16xi32>,
        %mul3A_515 = arith.constant 16 : i32
        %mul3A_516 = arith.muli %scan3A_510, %mul3A_515 : i32
        %get3A_517 = arith.index_cast %mul3A_516 : i32 to index
        %get3A_518 = tpu.vector_load %arg8[%get3A_517] {strides = array<i32>} : memref<8000xi32, #tpu.memory_space<vmem>>, vector<16xi32>,
        %ge3A_519 = vector.broadcast %mul3A_2 : i32 to vector<16xi32>
        %ge3A_520 = arith.cmpi sge, %get3A_514, %ge3A_519 : vector<16xi32>
        %lt3A_521 = vector.broadcast %add3A_4 : i32 to vector<16xi32>
        %lt3A_522 = arith.cmpi slt, %get3A_514, %lt3A_521 : vector<16xi32>
        %and3A_523 = arith.andi %ge3A_520, %lt3A_522 : vector<16xi1>
        %convert_element_type3A_524 = arith.extui %and3A_523 : vector<16xi1> to vector<16xi32>
        %broadcast_in_dim3A_525 = arith.constant true
        %broadcast_in_dim3A_526 = vector.broadcast %broadcast_in_dim3A_525 : i1 to vector<16xi1>
        %masked_cumsum3A_527 = tpu.scan <sum>, %convert_element_type3A_524 masked %broadcast_in_dim3A_526 : vector<16xi32>, vector<16xi1> -> vector<16xi32>
        %sub3A_528 = arith.constant 1 : i32
        %sub3A_529 = vector.broadcast %sub3A_528 : i32 to vector<16xi32>
        %sub3A_530 = arith.subi %add3A_508, %sub3A_529 : vector<16xi32>
        %add3A_531 = arith.addi %masked_cumsum3A_527, %sub3A_530 : vector<16xi32>
        tpu.vector_store_idx %arg11[%add3A_531], %get3A_518 masked %and3A_523 : memref<8000xi32, #tpu.memory_space<vmem>>[vector<16xi32>], vector<16xi32>, vector<16xi1>
        %sub3A_532 = vector.broadcast %mul3A_2 : i32 to vector<16xi32>
        %sub3A_533 = arith.subi %get3A_514, %sub3A_532 : vector<16xi32>
        tpu.vector_store_idx %arg12[%add3A_531], %sub3A_533 masked %and3A_523 : memref<8000xi32, #tpu.memory_space<vmem>>[vector<16xi32>], vector<16xi32>, vector<16xi1>
        %all_reduce_population_count3A_534 = tpu.all_reduce %and3A_523 {dim = 0 : i64, kind = #tpu.reduction_kind<sum>} : vector<16xi1> -> vector<16xi32>
        %add3A_535 = arith.addi %add3A_508, %all_reduce_population_count3A_534 : vector<16xi32>
        scf.yield %add3A_535 : vector<16xi32>
      }
      %scan3A_200 = arith.constant 496 : i32
      %scan3A_201 = arith.addi %scan3A_195, %scan3A_200 : i32
      %mul3A_202 = arith.constant 16 : i32
      %mul3A_203 = arith.muli %scan3A_201, %mul3A_202 : i32
      %get3A_204 = arith.index_cast %mul3A_203 : i32 to index
      %get3A_205 = tpu.vector_load %arg10[%get3A_204] {strides = array<i32>} : memref<8000xi32, #tpu.memory_space<vmem>>, vector<16xi32>,
      %mul3A_206 = arith.constant 16 : i32
      %mul3A_207 = arith.muli %scan3A_201, %mul3A_206 : i32
      %get3A_208 = arith.index_cast %mul3A_207 : i32 to index
      %get3A_209 = tpu.vector_load %arg8[%get3A_208] {strides = array<i32>} : memref<8000xi32, #tpu.memory_space<vmem>>, vector<16xi32>,
      %ge3A_210 = vector.broadcast %mul3A_2 : i32 to vector<16xi32>
      %ge3A_211 = arith.cmpi sge, %get3A_205, %ge3A_210 : vector<16xi32>
      %lt3A_212 = vector.broadcast %add3A_4 : i32 to vector<16xi32>
      %lt3A_213 = arith.cmpi slt, %get3A_205, %lt3A_212 : vector<16xi32>
      %and3A_214 = arith.andi %ge3A_211, %lt3A_213 : vector<16xi1>
      %convert_element_type3A_215 = arith.extui %and3A_214 : vector<16xi1> to vector<16xi32>
      %broadcast_in_dim3A_216 = arith.constant true
      %broadcast_in_dim3A_217 = vector.broadcast %broadcast_in_dim3A_216 : i1 to vector<16xi1>
      %masked_cumsum3A_218 = tpu.scan <sum>, %convert_element_type3A_215 masked %broadcast_in_dim3A_217 : vector<16xi32>, vector<16xi1> -> vector<16xi32>
      %sub3A_219 = arith.constant 1 : i32
      %sub3A_220 = vector.broadcast %sub3A_219 : i32 to vector<16xi32>
      %sub3A_221 = arith.subi %scan3A_199, %sub3A_220 : vector<16xi32>
      %add3A_222 = arith.addi %masked_cumsum3A_218, %sub3A_221 : vector<16xi32>
      tpu.vector_store_idx %arg11[%add3A_222], %get3A_209 masked %and3A_214 : memref<8000xi32, #tpu.memory_space<vmem>>[vector<16xi32>], vector<16xi32>, vector<16xi1>
      %sub3A_223 = vector.broadcast %mul3A_2 : i32 to vector<16xi32>
      %sub3A_224 = arith.subi %get3A_205, %sub3A_223 : vector<16xi32>
      tpu.vector_store_idx %arg12[%add3A_222], %sub3A_224 masked %and3A_214 : memref<8000xi32, #tpu.memory_space<vmem>>[vector<16xi32>], vector<16xi32>, vector<16xi1>
      %all_reduce_population_count3A_225 = tpu.all_reduce %and3A_214 {dim = 0 : i64, kind = #tpu.reduction_kind<sum>} : vector<16xi1> -> vector<16xi32>
      %add3A_226 = arith.addi %scan3A_199, %all_reduce_population_count3A_225 : vector<16xi32>
      %scan3A_227 = arith.constant 497 : i32
      %scan3A_228 = arith.addi %scan3A_195, %scan3A_227 : i32
      %mul3A_229 = arith.constant 16 : i32
      %mul3A_230 = arith.muli %scan3A_228, %mul3A_229 : i32
      %get3A_231 = arith.index_cast %mul3A_230 : i32 to index
      %get3A_232 = tpu.vector_load %arg10[%get3A_231] {strides = array<i32>} : memref<8000xi32, #tpu.memory_space<vmem>>, vector<16xi32>,
      %mul3A_233 = arith.constant 16 : i32
      %mul3A_234 = arith.muli %scan3A_228, %mul3A_233 : i32
      %get3A_235 = arith.index_cast %mul3A_234 : i32 to index
      %get3A_236 = tpu.vector_load %arg8[%get3A_235] {strides = array<i32>} : memref<8000xi32, #tpu.memory_space<vmem>>, vector<16xi32>,
      %ge3A_237 = vector.broadcast %mul3A_2 : i32 to vector<16xi32>
      %ge3A_238 = arith.cmpi sge, %get3A_232, %ge3A_237 : vector<16xi32>
      %lt3A_239 = vector.broadcast %add3A_4 : i32 to vector<16xi32>
      %lt3A_240 = arith.cmpi slt, %get3A_232, %lt3A_239 : vector<16xi32>
      %and3A_241 = arith.andi %ge3A_238, %lt3A_240 : vector<16xi1>
      %convert_element_type3A_242 = arith.extui %and3A_241 : vector<16xi1> to vector<16xi32>
      %broadcast_in_dim3A_243 = arith.constant true
      %broadcast_in_dim3A_244 = vector.broadcast %broadcast_in_dim3A_243 : i1 to vector<16xi1>
      %masked_cumsum3A_245 = tpu.scan <sum>, %convert_element_type3A_242 masked %broadcast_in_dim3A_244 : vector<16xi32>, vector<16xi1> -> vector<16xi32>
      %sub3A_246 = arith.constant 1 : i32
      %sub3A_247 = vector.broadcast %sub3A_246 : i32 to vector<16xi32>
      %sub3A_248 = arith.subi %add3A_226, %sub3A_247 : vector<16xi32>
      %add3A_249 = arith.addi %masked_cumsum3A_245, %sub3A_248 : vector<16xi32>
      tpu.vector_store_idx %arg11[%add3A_249], %get3A_236 masked %and3A_241 : memref<8000xi32, #tpu.memory_space<vmem>>[vector<16xi32>], vector<16xi32>, vector<16xi1>
      %sub3A_250 = vector.broadcast %mul3A_2 : i32 to vector<16xi32>
      %sub3A_251 = arith.subi %get3A_232, %sub3A_250 : vector<16xi32>
      tpu.vector_store_idx %arg12[%add3A_249], %sub3A_251 masked %and3A_241 : memref<8000xi32, #tpu.memory_space<vmem>>[vector<16xi32>], vector<16xi32>, vector<16xi1>
      %all_reduce_population_count3A_252 = tpu.all_reduce %and3A_241 {dim = 0 : i64, kind = #tpu.reduction_kind<sum>} : vector<16xi1> -> vector<16xi32>
      %add3A_253 = arith.addi %add3A_226, %all_reduce_population_count3A_252 : vector<16xi32>
      %scan3A_254 = arith.constant 498 : i32
      %scan3A_255 = arith.addi %scan3A_195, %scan3A_254 : i32
      %mul3A_256 = arith.constant 16 : i32
      %mul3A_257 = arith.muli %scan3A_255, %mul3A_256 : i32
      %get3A_258 = arith.index_cast %mul3A_257 : i32 to index
      %get3A_259 = tpu.vector_load %arg10[%get3A_258] {strides = array<i32>} : memref<8000xi32, #tpu.memory_space<vmem>>, vector<16xi32>,
      %mul3A_260 = arith.constant 16 : i32
      %mul3A_261 = arith.muli %scan3A_255, %mul3A_260 : i32
      %get3A_262 = arith.index_cast %mul3A_261 : i32 to index
      %get3A_263 = tpu.vector_load %arg8[%get3A_262] {strides = array<i32>} : memref<8000xi32, #tpu.memory_space<vmem>>, vector<16xi32>,
      %ge3A_264 = vector.broadcast %mul3A_2 : i32 to vector<16xi32>
      %ge3A_265 = arith.cmpi sge, %get3A_259, %ge3A_264 : vector<16xi32>
      %lt3A_266 = vector.broadcast %add3A_4 : i32 to vector<16xi32>
      %lt3A_267 = arith.cmpi slt, %get3A_259, %lt3A_266 : vector<16xi32>
      %and3A_268 = arith.andi %ge3A_265, %lt3A_267 : vector<16xi1>
      %convert_element_type3A_269 = arith.extui %and3A_268 : vector<16xi1> to vector<16xi32>
      %broadcast_in_dim3A_270 = arith.constant true
      %broadcast_in_dim3A_271 = vector.broadcast %broadcast_in_dim3A_270 : i1 to vector<16xi1>
      %masked_cumsum3A_272 = tpu.scan <sum>, %convert_element_type3A_269 masked %broadcast_in_dim3A_271 : vector<16xi32>, vector<16xi1> -> vector<16xi32>
      %sub3A_273 = arith.constant 1 : i32
      %sub3A_274 = vector.broadcast %sub3A_273 : i32 to vector<16xi32>
      %sub3A_275 = arith.subi %add3A_253, %sub3A_274 : vector<16xi32>
      %add3A_276 = arith.addi %masked_cumsum3A_272, %sub3A_275 : vector<16xi32>
      tpu.vector_store_idx %arg11[%add3A_276], %get3A_263 masked %and3A_268 : memref<8000xi32, #tpu.memory_space<vmem>>[vector<16xi32>], vector<16xi32>, vector<16xi1>
      %sub3A_277 = vector.broadcast %mul3A_2 : i32 to vector<16xi32>
      %sub3A_278 = arith.subi %get3A_259, %sub3A_277 : vector<16xi32>
      tpu.vector_store_idx %arg12[%add3A_276], %sub3A_278 masked %and3A_268 : memref<8000xi32, #tpu.memory_space<vmem>>[vector<16xi32>], vector<16xi32>, vector<16xi1>
      %all_reduce_population_count3A_279 = tpu.all_reduce %and3A_268 {dim = 0 : i64, kind = #tpu.reduction_kind<sum>} : vector<16xi1> -> vector<16xi32>
      %add3A_280 = arith.addi %add3A_253, %all_reduce_population_count3A_279 : vector<16xi32>
      %scan3A_281 = arith.constant 499 : i32
      %scan3A_282 = arith.addi %scan3A_195, %scan3A_281 : i32
      %mul3A_283 = arith.constant 16 : i32
      %mul3A_284 = arith.muli %scan3A_282, %mul3A_283 : i32
      %get3A_285 = arith.index_cast %mul3A_284 : i32 to index
      %get3A_286 = tpu.vector_load %arg10[%get3A_285] {strides = array<i32>} : memref<8000xi32, #tpu.memory_space<vmem>>, vector<16xi32>,
      %mul3A_287 = arith.constant 16 : i32
      %mul3A_288 = arith.muli %scan3A_282, %mul3A_287 : i32
      %get3A_289 = arith.index_cast %mul3A_288 : i32 to index
      %get3A_290 = tpu.vector_load %arg8[%get3A_289] {strides = array<i32>} : memref<8000xi32, #tpu.memory_space<vmem>>, vector<16xi32>,
      %ge3A_291 = vector.broadcast %mul3A_2 : i32 to vector<16xi32>
      %ge3A_292 = arith.cmpi sge, %get3A_286, %ge3A_291 : vector<16xi32>
      %lt3A_293 = vector.broadcast %add3A_4 : i32 to vector<16xi32>
      %lt3A_294 = arith.cmpi slt, %get3A_286, %lt3A_293 : vector<16xi32>
      %and3A_295 = arith.andi %ge3A_292, %lt3A_294 : vector<16xi1>
      %convert_element_type3A_296 = arith.extui %and3A_295 : vector<16xi1> to vector<16xi32>
      %broadcast_in_dim3A_297 = arith.constant true
      %broadcast_in_dim3A_298 = vector.broadcast %broadcast_in_dim3A_297 : i1 to vector<16xi1>
      %masked_cumsum3A_299 = tpu.scan <sum>, %convert_element_type3A_296 masked %broadcast_in_dim3A_298 : vector<16xi32>, vector<16xi1> -> vector<16xi32>
      %sub3A_300 = arith.constant 1 : i32
      %sub3A_301 = vector.broadcast %sub3A_300 : i32 to vector<16xi32>
      %sub3A_302 = arith.subi %add3A_280, %sub3A_301 : vector<16xi32>
      %add3A_303 = arith.addi %masked_cumsum3A_299, %sub3A_302 : vector<16xi32>
      tpu.vector_store_idx %arg11[%add3A_303], %get3A_290 masked %and3A_295 : memref<8000xi32, #tpu.memory_space<vmem>>[vector<16xi32>], vector<16xi32>, vector<16xi1>
      %sub3A_304 = vector.broadcast %mul3A_2 : i32 to vector<16xi32>
      %sub3A_305 = arith.subi %get3A_286, %sub3A_304 : vector<16xi32>
      tpu.vector_store_idx %arg12[%add3A_303], %sub3A_305 masked %and3A_295 : memref<8000xi32, #tpu.memory_space<vmem>>[vector<16xi32>], vector<16xi32>, vector<16xi1>
      %all_reduce_population_count3A_306 = tpu.all_reduce %and3A_295 {dim = 0 : i64, kind = #tpu.reduction_kind<sum>} : vector<16xi1> -> vector<16xi32>
      %add3A_307 = arith.addi %add3A_280, %all_reduce_population_count3A_306 : vector<16xi32>
      %scan3A_308 = arith.constant 500 : i32
      %slice3A_309 = vector.extract_strided_slice %add3A_307 {offsets = [0], sizes = [1], strides = [1]} : vector<16xi32> to vector<1xi32>
      %squeeze3A_310 = vector.extract %slice3A_309[0] : i32 from vector<1xi32>
      %mul3A_311 = arith.constant 384000 : i32
      %mul3A_312 = arith.muli %add3A, %mul3A_311 : i32
      %add3A_313 = arith.addi %mul3A_312, %add3A_176 : i32
      %multiple_of3A_314 = tpu.assume_multiple %add3A_313, 16 : i32
      "tpu.region"() ({
        %run_scoped3A = tpu.sem_alloc : memref<!tpu.dma_semaphore, #tpu.memory_space<semaphore_mem>>
        %dma_start3A_320 = tpu.memref_slice %arg5[%multiple_of3A_314] : memref<12288000xi32, #tpu.memory_space<hbm>> -> memref<8000xi32, #tpu.memory_space<hbm>>
        %dma_start3A_321 = tpu.memref_slice %arg5[%multiple_of3A_314] : memref<12288000xi32, #tpu.memory_space<hbm>> -> memref<8000xi32, #tpu.memory_space<hbm>>
        tpu.enqueue_dma source(%arg11 : memref<8000xi32, #tpu.memory_space<vmem>>) target(%dma_start3A_321 : memref<8000xi32, #tpu.memory_space<hbm>>) target_semaphore(%run_scoped3A : memref<!tpu.dma_semaphore, #tpu.memory_space<semaphore_mem>>)
        %dma_wait3A_322 = tpu.memref_slice %arg5[%multiple_of3A_314] : memref<12288000xi32, #tpu.memory_space<hbm>> -> memref<8000xi32, #tpu.memory_space<hbm>>
        %dma_wait3A_323 = tpu.memref_slice %arg5[%multiple_of3A_314] : memref<12288000xi32, #tpu.memory_space<hbm>> -> memref<8000xi32, #tpu.memory_space<hbm>>
        tpu.wait_dma2 semaphore(%run_scoped3A : memref<!tpu.dma_semaphore, #tpu.memory_space<semaphore_mem>>) src(%arg11 : memref<8000xi32, #tpu.memory_space<vmem>>) dst(%dma_wait3A_323 : memref<8000xi32, #tpu.memory_space<hbm>>)
        tpu.yield
      }) : () -> ()
      "tpu.region"() ({
        %run_scoped3A = tpu.sem_alloc : memref<!tpu.dma_semaphore, #tpu.memory_space<semaphore_mem>>
        %dma_start3A_320 = tpu.memref_slice %arg6[%multiple_of3A_314] : memref<12288000xi32, #tpu.memory_space<hbm>> -> memref<8000xi32, #tpu.memory_space<hbm>>
        %dma_start3A_321 = tpu.memref_slice %arg6[%multiple_of3A_314] : memref<12288000xi32, #tpu.memory_space<hbm>> -> memref<8000xi32, #tpu.memory_space<hbm>>
        tpu.enqueue_dma source(%arg12 : memref<8000xi32, #tpu.memory_space<vmem>>) target(%dma_start3A_321 : memref<8000xi32, #tpu.memory_space<hbm>>) target_semaphore(%run_scoped3A : memref<!tpu.dma_semaphore, #tpu.memory_space<semaphore_mem>>)
        %dma_wait3A_322 = tpu.memref_slice %arg6[%multiple_of3A_314] : memref<12288000xi32, #tpu.memory_space<hbm>> -> memref<8000xi32, #tpu.memory_space<hbm>>
        %dma_wait3A_323 = tpu.memref_slice %arg6[%multiple_of3A_314] : memref<12288000xi32, #tpu.memory_space<hbm>> -> memref<8000xi32, #tpu.memory_space<hbm>>
        tpu.wait_dma2 semaphore(%run_scoped3A : memref<!tpu.dma_semaphore, #tpu.memory_space<semaphore_mem>>) src(%arg12 : memref<8000xi32, #tpu.memory_space<vmem>>) dst(%dma_wait3A_323 : memref<8000xi32, #tpu.memory_space<hbm>>)
        tpu.yield
      }) : () -> ()
      %add3A_315 = arith.constant 15 : i32
      %add3A_316 = arith.addi %squeeze3A_310, %add3A_315 : i32
      %and3A_317 = arith.constant -16 : i32
      %and3A_318 = arith.andi %add3A_316, %and3A_317 : i32
      %add3A_319 = arith.addi %add3A_176, %and3A_318 : i32
      scf.yield %add3A_319 : i32
    }
    %scan3A_27 = arith.constant 20 : i32
    %mul3A_28 = arith.constant 384000 : i32
    %mul3A_29 = arith.muli %add3A, %mul3A_28 : i32
    %add3A_30 = arith.addi %mul3A_29, %scan3A_26 : i32
    %multiple_of3A = tpu.assume_multiple %add3A_30, 16 : i32
    "tpu.region"() ({
      %run_scoped3A = tpu.sem_alloc : memref<!tpu.dma_semaphore, #tpu.memory_space<semaphore_mem>>
      %dma_start3A_39 = tpu.memref_slice %arg5[%multiple_of3A] : memref<12288000xi32, #tpu.memory_space<hbm>> -> memref<8000xi32, #tpu.memory_space<hbm>>
      %dma_start3A_40 = tpu.memref_slice %arg5[%multiple_of3A] : memref<12288000xi32, #tpu.memory_space<hbm>> -> memref<8000xi32, #tpu.memory_space<hbm>>
      tpu.enqueue_dma source(%arg11 : memref<8000xi32, #tpu.memory_space<vmem>>) target(%dma_start3A_40 : memref<8000xi32, #tpu.memory_space<hbm>>) target_semaphore(%run_scoped3A : memref<!tpu.dma_semaphore, #tpu.memory_space<semaphore_mem>>)
      %dma_wait3A = tpu.memref_slice %arg5[%multiple_of3A] : memref<12288000xi32, #tpu.memory_space<hbm>> -> memref<8000xi32, #tpu.memory_space<hbm>>
      %dma_wait3A_41 = tpu.memref_slice %arg5[%multiple_of3A] : memref<12288000xi32, #tpu.memory_space<hbm>> -> memref<8000xi32, #tpu.memory_space<hbm>>
      tpu.wait_dma2 semaphore(%run_scoped3A : memref<!tpu.dma_semaphore, #tpu.memory_space<semaphore_mem>>) src(%arg11 : memref<8000xi32, #tpu.memory_space<vmem>>) dst(%dma_wait3A_41 : memref<8000xi32, #tpu.memory_space<hbm>>)
      tpu.yield
    }) : () -> ()
    "tpu.region"() ({
      %run_scoped3A = tpu.sem_alloc : memref<!tpu.dma_semaphore, #tpu.memory_space<semaphore_mem>>
      %dma_start3A_39 = tpu.memref_slice %arg6[%multiple_of3A] : memref<12288000xi32, #tpu.memory_space<hbm>> -> memref<8000xi32, #tpu.memory_space<hbm>>
      %dma_start3A_40 = tpu.memref_slice %arg6[%multiple_of3A] : memref<12288000xi32, #tpu.memory_space<hbm>> -> memref<8000xi32, #tpu.memory_space<hbm>>
      tpu.enqueue_dma source(%arg12 : memref<8000xi32, #tpu.memory_space<vmem>>) target(%dma_start3A_40 : memref<8000xi32, #tpu.memory_space<hbm>>) target_semaphore(%run_scoped3A : memref<!tpu.dma_semaphore, #tpu.memory_space<semaphore_mem>>)
      %dma_wait3A = tpu.memref_slice %arg6[%multiple_of3A] : memref<12288000xi32, #tpu.memory_space<hbm>> -> memref<8000xi32, #tpu.memory_space<hbm>>
      %dma_wait3A_41 = tpu.memref_slice %arg6[%multiple_of3A] : memref<12288000xi32, #tpu.memory_space<hbm>> -> memref<8000xi32, #tpu.memory_space<hbm>>
      tpu.wait_dma2 semaphore(%run_scoped3A : memref<!tpu.dma_semaphore, #tpu.memory_space<semaphore_mem>>) src(%arg12 : memref<8000xi32, #tpu.memory_space<vmem>>) dst(%dma_wait3A_41 : memref<8000xi32, #tpu.memory_space<hbm>>)
      tpu.yield
    }) : () -> ()
    %broadcast_in_dim3A_31 = arith.constant 0 : i32
    %broadcast_in_dim3A_32 = vector.broadcast %broadcast_in_dim3A_31 : i32 to vector<16xi32>
    %add3A_33 = vector.broadcast %scan3A_26 : i32 to vector<16xi32>
    %add3A_34 = arith.addi %broadcast_in_dim3A_32, %add3A_33 : vector<16xi32>
    %swap3A = arith.constant 0 : index
    %swap3A_35 = tpu.vector_load %arg13[%swap3A] {strides = array<i32>} : memref<16xi32, #tpu.memory_space<vmem>>, vector<16xi32>,
    tpu.vector_store %arg13[%swap3A], %add3A_34 {strides = array<i32>} : memref<16xi32, #tpu.memory_space<vmem>>, vector<16xi32>,
    %mul3A_36 = arith.constant 16 : i32
    %mul3A_37 = arith.muli %add3A, %mul3A_36 : i32
    %multiple_of3A_38 = tpu.assume_multiple %mul3A_37, 16 : i32
    "tpu.region"() ({
      %run_scoped3A = tpu.sem_alloc : memref<!tpu.dma_semaphore, #tpu.memory_space<semaphore_mem>>
      %dma_start3A_39 = tpu.memref_slice %arg4[%multiple_of3A_38] : memref<512xi32, #tpu.memory_space<hbm>> -> memref<16xi32, #tpu.memory_space<hbm>>
      %dma_start3A_40 = tpu.memref_slice %arg4[%multiple_of3A_38] : memref<512xi32, #tpu.memory_space<hbm>> -> memref<16xi32, #tpu.memory_space<hbm>>
      tpu.enqueue_dma source(%arg13 : memref<16xi32, #tpu.memory_space<vmem>>) target(%dma_start3A_40 : memref<16xi32, #tpu.memory_space<hbm>>) target_semaphore(%run_scoped3A : memref<!tpu.dma_semaphore, #tpu.memory_space<semaphore_mem>>)
      %dma_wait3A = tpu.memref_slice %arg4[%multiple_of3A_38] : memref<512xi32, #tpu.memory_space<hbm>> -> memref<16xi32, #tpu.memory_space<hbm>>
      %dma_wait3A_41 = tpu.memref_slice %arg4[%multiple_of3A_38] : memref<512xi32, #tpu.memory_space<hbm>> -> memref<16xi32, #tpu.memory_space<hbm>>
      tpu.wait_dma2 semaphore(%run_scoped3A : memref<!tpu.dma_semaphore, #tpu.memory_space<semaphore_mem>>) src(%arg13 : memref<16xi32, #tpu.memory_space<vmem>>) dst(%dma_wait3A_41 : memref<16xi32, #tpu.memory_space<hbm>>)
      tpu.yield
    }) : () -> ()
    return
  }
}

</mosaic_0001>

<sc_bundles>
// kernel: _partition.3.cloned.1.call-start
scs
__scs_entry_jumppad:
0x0: {  	(pc) =	sbr.rel $0x88, $3  }
0x1: {  	(tag) =	ssettag $0x0;
	lr =	simm.s32 $0x1  }
0x2: {  	[smem:$0x3F9F] =	sst lr;
	_ =	strace $0xD0000000  }
0x3: {  	_ = 	snop  }
0x4: {  	_ = 	snop  }
0x5: {  	_ = 	snop  }
0x6: {  	_ = 	snop  }
0x7: {  	_ = 	snop  }
__scs_overlays_trampoline_lowered:
0x8: {  	[smem:$0x3FAE] =	sst s0  }
0x9: {  	[smem:$0x3FAF] =	sst s1  }
0xa: {  	[smem:$0x3FB0] =	sst s2  }
0xb: {  	[smem:$0x3FB1] =	sst s3  }
0xc: {  	[smem:$0x3FB2] =	sst s4  }
0xd: {  	[smem:$0x3FB3] =	sst s5  }
0xe: {  	[smem:$0x3FB4] =	sst s6  }
0xf: {  	[smem:$0x3FB5] =	sst s7  }
0x10: {  	[smem:$0x3FB6] =	sst s8  }
0x11: {  	[smem:$0x3FB7] =	sst s9;
	s0 =	simm.s32 @!p0 $0x0  }
0x12: {  	s1 =	sld [smem:$0x3F9D];
	s0 =	simm.s32 @p0 $0x1  }
0x13: {  	[smem:$0x3FB8] =	sst s0;
	s0 =	simm.s32 @!p1 $0x0  }
0x14: {  	s2 =	sld [smem:$0x3F9C];
	s0 =	simm.s32 @p1 $0x1  }
0x15: {  	[smem:$0x3FB9] =	sst s0;
	s0 =	simm.s32 @!p2 $0x0  }
0x16: {  	s3 =	sld [smem:$0x3FDB];
	s0 =	simm.s32 @p2 $0x1  }
0x17: {  	s4 =	simm.s32 $0x1BF5;
	[smem:$0x3FBB] =	sst s0  }
0x18: {  	s0 =	sld [smem:$0x3F9E];
	_ =	swait.ge [sflag:s4], $0x0  }
0x19: {  	s7 =	sld [smem:$0x3F9F]  }
0x1a: {  	s8 =	sadd.s32 $0xFFFFE003, lr  }
0x1b: {  	s9 =	sadd.s32 $0xFFFFFEF7, lr;
	s5 =	simm.s32 $0xFFFFFFFF;
	p2 =	slt.u32 s8, $0xFFFFF086  }
0x1c: {  	p1 =	slt.u32 s9, $0xF7A;
	s5 =	simm.s32 @!p2 $0x0  }
0x1d: {  	s5 =	simm.s32 @p1 $0x1;
	p0 =	seq.s32 s7, s2  }
0x1e: {  	s7 =	smul.u32 @!p0 $0xF7A, s2;
	p2 =	seq.s32 @!p0 s5, $0x0  }
0x1f: {  	s9 =	smul.u32 $0xF7A, s1;
	s8 =	simm.s32 @!p0 $0x1BF5;
	p2 =	por !p2, p0  }
0x20: {  	[sflag:s8] =	ssyncset.s32 @!p0 $0xFFFFF086;
	s6 =	sadd.s32 @!p0 s3, s7;
	s7 =	simm.s32 @!p0 $0x108  }
0x21: {  	s3 =	sadd.s32 s3, s9;
	s6 =	sadd.s32 @!p0 $0x88, s6;
	s7 =	simm.s32 @p2 $0x1082  }
0x22: {  	[simem:s7], [sflag:s8] =	dma.local @!p0 [hbm:s6], $0xF7A  }
0x23: {  	s9 =	sor.u32 $0xD0000000, s2;
	s6 =	simm.s32 $0x108;
	_ =	swait.ge @!p0 [sflag:s8], $0x0  }
0x24: {  	s3 =	sadd.s32 $0x88, s3;
	s6 =	simm.s32 @!p1 $0x1082;
	[sflag:s4] =	ssyncset.s32 $0xFFFFF086  }
0x25: {  	[simem:s6], [sflag:s4] =	dma.local [hbm:s3], $0xF7A  }
0x26: {  	[smem:$0x3F9F] =	sst s1;
	(tag) =	ssettag s2;
	_ =	strace s9  }
0x27: {  	s1 =	sld [smem:$0x3FAF]  }
0x28: {  	s2 =	sld [smem:$0x3FB0]  }
0x29: {  	s4 =	sld [smem:$0x3FB2]  }
0x2a: {  	p0 =	seq.s32 s5, $0x0;
	s5 =	sld [smem:$0x3FB3]  }
0x2b: {  	s6 =	sld [smem:$0x3FB4]  }
0x2c: {  	s7 =	sld [smem:$0x3FB5]  }
0x2d: {  	s3 =	simm.s32 $0x108;
	s8 =	sld [smem:$0x3FB6]  }
0x2e: {  	s3 =	simm.s32 @!p0 $0x1082;
	s9 =	sld [smem:$0x3FB7]  }
0x2f: {  	lr =	sadd.s32 s0, s3;
	s0 =	sld [smem:$0x3FAE]  }
0x30: {  	s3 =	sld [smem:$0x3FB1]  }
0x31: {  	[smem:$0x3FBA] =	sst s10  }
0x32: {  	s10 =	sld [smem:$0x3FB8];
	_ =	sdelay $0x3  }
0x33: {  	p0 =	seq.s32 s10, $0x1;
	s10 =	sld [smem:$0x3FBA];
	_ =	sdelay $0x3  }
0x34: {  	[smem:$0x3FBA] =	sst s10  }
0x35: {  	s10 =	sld [smem:$0x3FB9];
	_ =	sdelay $0x3  }
0x36: {  	p1 =	seq.s32 s10, $0x1;
	s10 =	sld [smem:$0x3FBA];
	_ =	sdelay $0x3  }
0x37: {  	[smem:$0x3FBA] =	sst s10  }
0x38: {  	s10 =	sld [smem:$0x3FBB]  }
0x39: {  	_ = 	snop;
	(pc) =	sbr.ind lr, $3  }
0x3a: {  	_ = 	snop  }
0x3b: {  	_ = 	snop  }
0x3c: {  	p2 =	seq.s32 s10, $0x1;
	s10 =	sld [smem:$0x3FBA]  }
0x3d: {  	_ =	shalt  }
0x3e: {  	_ =	shalt  }
0x3f: {  	_ =	shalt  }
0x40: {  	_ =	shalt  }
0x41: {  	_ =	shalt  }
0x42: {  	_ =	shalt  }
0x43: {  	_ =	shalt  }
0x44: {  	_ =	shalt  }
0x45: {  	_ =	shalt  }
0x46: {  	_ =	shalt  }
0x47: {  	_ =	shalt  }
0x48: {  	_ =	shalt  }
0x49: {  	_ =	shalt  }
0x4a: {  	_ =	shalt  }
0x4b: {  	_ =	shalt  }
0x4c: {  	_ =	shalt  }
0x4d: {  	_ =	shalt  }
0x4e: {  	_ =	shalt  }
0x4f: {  	_ =	shalt  }
0x50: {  	_ =	shalt  }
0x51: {  	_ =	shalt  }
0x52: {  	_ =	shalt  }
0x53: {  	_ =	shalt  }
0x54: {  	_ =	shalt  }
0x55: {  	_ =	shalt  }
0x56: {  	_ =	shalt  }
0x57: {  	_ =	shalt  }
0x58: {  	_ =	shalt  }
0x59: {  	_ =	shalt  }
0x5a: {  	_ =	shalt  }
0x5b: {  	_ =	shalt  }
0x5c: {  	_ =	shalt  }
0x5d: {  	_ =	shalt  }
0x5e: {  	_ =	shalt  }
0x5f: {  	_ =	shalt  }
0x60: {  	_ =	shalt  }
0x61: {  	_ =	shalt  }
0x62: {  	_ =	shalt  }
0x63: {  	_ =	shalt  }
0x64: {  	_ =	shalt  }
0x65: {  	_ =	shalt  }
0x66: {  	_ =	shalt  }
0x67: {  	_ =	shalt  }
0x68: {  	_ =	shalt  }
0x69: {  	_ =	shalt  }
0x6a: {  	_ =	shalt  }
0x6b: {  	_ =	shalt  }
0x6c: {  	_ =	shalt  }
0x6d: {  	_ =	shalt  }
0x6e: {  	_ =	shalt  }
0x6f: {  	_ =	shalt  }
0x70: {  	_ =	shalt  }
0x71: {  	_ =	shalt  }
0x72: {  	_ =	shalt  }
0x73: {  	_ =	shalt  }
0x74: {  	_ =	shalt  }
0x75: {  	_ =	shalt  }
0x76: {  	_ =	shalt  }
0x77: {  	_ =	shalt  }
0x78: {  	_ =	shalt  }
0x79: {  	_ =	shalt  }
0x7a: {  	_ =	shalt  }
0x7b: {  	_ =	shalt  }
0x7c: {  	_ =	shalt  }
0x7d: {  	_ =	shalt  }
0x7e: {  	_ =	shalt  }
0x7f: {  	_ =	shalt  }
0x80: {  	_ =	shalt  }
0x81: {  	_ =	shalt  }
0x82: {  	_ =	shalt  }
0x83: {  	_ =	shalt  }
0x84: {  	_ =	shalt  }
0x85: {  	_ =	shalt  }
0x86: {  	_ =	shalt  }
0x87: {  	_ =	shalt  }
.Lfunc_end0:
.L_simem_size_0:
called_computation_lowered:
.L_overlay_start_0:
0x88: {  	s2 =	sld [smem:$0x3FD9]  }
0x89: {  	s3 =	sld [smem:$0x3FFE];
	_ =	sdelay $0x1  }
0x8a: {  	s1 =	srdreg.scid  }
0x8b: {  	s0 =	sand.u32 $0x1, s1  }
0x8c: {  	s15 =	sshll.u32 s0, $0xA;
	s2 =	sadd.s32 s3, s2  }
0x8d: {  	s2 =	sadd.s32 s2, s15  }
0x8e: {  	[smem:$0x3FC6] =	sst s2  }
0x8f: {  	_ = 	snop  }
0x90: {  	s2 =	sld [smem:$0x3FD0];
	_ =	sdelay $0x1  }
0x91: {  	s16 =	sld [smem:$0x3FC9]  }
0x92: {  	s5 =	simm.s32 $0xA;
	s6 =	simm.s32 $0x10;
	s4 =	sld [smem:$0x3FC8]  }
0x93: {  	[smem:s6], [sflag:s5] =	dma.local [hbm:s2], $0x1  }
0x94: {  	_ =	swait.eq [sflag:s5], $0x1  }
0x95: {  	s17 =	sld [smem:$0x10];
	[sflag:s5] =	ssyncset.done $0x0  }
0x96: {  	s18 =	sld [smem:$0x11];
	[sflag:s5] =	ssyncadd.s32 $0xFFFFFFFF  }
0x97: {  	s19 =	sld [smem:$0x12];
	(tm) =	ssettm $0x1  }
0x98: {  	s7 =	sld [smem:$0x3FFB];
	_ =	sdelay $0x3  }
0x99: {  	_ =	strace s7  }
0x9a: {  	s7 =	sld [smem:$0x3FFC];
	_ =	sdelay $0x3  }
0x9b: {  	_ =	strace s7  }
0x9c: {  	s7 =	sld [smem:$0x3FFD];
	_ =	sdelay $0x3  }
0x9d: {  	_ =	strace s7  }
0x9e: {  	_ =	strace $0x8FFFFFFF  }
0x9f: {  	s20 =	sld [smem:$0x3FDB];
	_ =	sdelay $0x1  }
0xa0: {  	s8 =	simm.s32 $_scs_section_size  }
0xa1: {  	s9 =	simm.s32 $_size__tile_overlayer_lowered;
	s10 =	simm.s32 $_tile_overlayer_lowered  }
0xa2: {  	s23 =	simm.s32 $0x1BFF;
	s22 =	sshll.u32 s10, $0x1;
	s7 =	sadd.s32 s8, s20  }
0xa3: {  	s11 =	simm.s32 $0x0;
	s21 =	sshll.u32 s9, $0x1;
	s9 =	sadd.s32 s22, s7  }
0xa4: {  	[timem:s11], [sflag:s23] =	dma.local [hbm:s9], s21  }
0xa5: {  	_ =	swait.ge [sflag:s23], s21  }
0xa6: {  	s8 =	ssub.s32 $0x0, s21;
	[sflag:s23] =	ssyncset.done $0x0  }
0xa7: {  	[sflag:s23] =	ssyncadd.s32 s8;
	_ =	sdelay $0x1  }
0xa8: {  	s24 =	simm.s32 $0x1B8B  }
0xa9: {  	_ =	swait.ge [sflag:s24], $0x1  }
0xaa: {  	[sflag:s24] =	ssyncset.done $0x0  }
0xab: {  	s25 =	simm.s32 $0x1B8E;
	[sflag:s24] =	ssyncadd.s32 $0xFFFFFFFF  }
0xac: {  	s26 =	simm.s32 $execute0_lowered;
	[smem:$0x3FD2] =	sst s25  }
0xad: {  	s8 =	sshll.u32 s26, $0x1;
	_ =	strace $0x80000046;
	[dreg:$0x1] =	wrdreg $0xFFFFFFFF  }
0xae: {  	s28 =	simm.s32 $_size_execute0_lowered;
	s7 =	sadd.s32 s7, s8;
	[dreg:$0x0] =	wrdreg $0x0  }
0xaf: {  	s8 =	sshll.u32 s28, $0x1;
	[dreg:$0x2] =	wrdreg s7  }
0xb0: {  	[dreg:$0x3] =	wrdreg s8  }
0xb1: {  	[dreg:$0x4] =	wrdreg $0xC0  }
0xb2: {  	_ =	task [dreg:s11], $0x5FFFF  }
0xb3: {  	[dreg:$0x1] =	wrdreg $0xFFFFFFFF  }
0xb4: {  	[dreg:$0x0] =	wrdreg $0x60  }
0xb5: {  	[dreg:$0x2] =	wrdreg s16  }
0xb6: {  	[dreg:$0x3] =	wrdreg s4  }
0xb7: {  	[dreg:$0x4] =	wrdreg s17  }
0xb8: {  	[dreg:$0x5] =	wrdreg s18  }
0xb9: {  	[dreg:$0x6] =	wrdreg s19  }
0xba: {  	[dreg:$0x7] =	wrdreg $0x9  }
0xbb: {  	_ =	task.clear_ibuf [dreg:s11], $0x8FFFF;
	_ =	strace $0x90000046  }
0xbc: {  	s29 =	simm.s32 $0x9;
	_ =	strace $0x80000048  }
0xbd: {  	_ =	swait.ge [sflag:s29], $0x1  }
0xbe: {  	[sflag:s29] =	ssyncadd.s32 $0xFFFFFFFF  }
0xbf: {  	_ =	strace $0x90000048  }
0xc0: {  	_ =	sfence  }
0xc1: {  	s30 =	sld [smem:$0x0];
	_ =	sdelay $0x2  }
0xc2: {  	s31 =	sshll.u32 s1, $0xD;
	s1 =	sshrl.u32 s1, $0x2  }
0xc3: {  	s3 =	sand.u32 $0x4000, s31;
	s1 =	sadd.s32 s1, s30  }
0xc4: {  	s0 =	sor.u32 s3, s0;
	s1 =	sshll.u32 s1, $0x11  }
0xc5: {  	s0 =	sor.u32 s1, s0  }
0xc6: {  	s0 =	sadd.s32 $0x8F2B, s0  }
0xc7: {  	[sflag:s0] =	ssyncadd.remote.s32 $0x1  }
0xc8: {  	_ =	sfence.sel $0xFFFF  }
0xc9: {  	[dreg:$0x0] =	wrdreg $0xFFFFFFFF;
	(pc) =	sbr.abs _section_cstart, $3  }
0xca: {  	[dreg:$0x1] =	wrdreg $0xFFFFFFFF  }
0xcb: {  	_ =	task.clear_ibuf [dreg:s11], $0x2FFFF;
	_ =	strace $0x9FFFFFFF  }
0xcc: {  	(tm) =	ssettm $0x7FFFFFFF  }
0xcd: {  	_ =	shalt  }
tec
execute0_lowered:
.L_overlay_start_1:
0x0: {  	(tag) =	ssettag $0x1  }
0x1: {  	s0 =	rddreg [dreg:$0x0]  }
0x2: {  	s2 =	rddreg [dreg:$0x1]  }
0x3: {  	s8 =	rddreg [dreg:$0x2]  }
0x4: {  	s4 =	rddreg [dreg:$0x3]  }
0x5: {  	s5 =	rddreg [dreg:$0x4];
	s6 =	srdreg.scid  }
0x6: {  	s3 =	stileid.u32;
	s1 =	rddreg [dreg:$0x5];
	s11 =	simm.s32 $0x1F80  }
0x7: {  	s12 =	simm.s32 $0x5E80;
	s13 =	simm.s32 $0x1;
	s15 =	simm.s32 $0x9D80  }
0x8: {  	s16 =	simm.s32 $0x3;
	s18 =	simm.s32 $0xBD00;
	s19 =	simm.s32 $0x0  }
0x9: {  	s7 =	sand.u32 $0x1, s6;
	s9 =	sshll.u32 s3, $0x1;
	s6 =	simm.s32 $0x0  }
0xa: {  	s10 =	ssub.s32 $0x2, s7;
	s9 =	sor.u32 s7, s9;
	[smem:$0x7FF] =	sst s6  }
0xb: {  	s31 =	sshrl.u32 s10, $0x1;
	s14 =	smul.u32 $0x140, s9;
	_ =	strace $0x80000047  }
0xc: {  	s7 =	smul.u32 $0x5DC00, s9;
	s9 =	sshll.u32 s9, $0x1;
	s10 =	ssub.s32 s10, s31  }
0xd: {  	v2 =	vimm.s32 $0x140;
	s8 =	sadd.s32 s8, s9;
	s17 =	sadd.s32 $0x140, s14;
	s9 =	smax.u32 s10, $0x1  }
0xe: {  	v3 =	vimm.s32 $0x0;
	s10 =	simm.s32 $0x3F00;
	v0 =	vmov s14;
	s14 =	simm.s32 $0x7E00;
	v1 =	vmov s17;
	s17 =	simm.s32 $0x2  }
.LBB2_1:
0xf: {  	s20 =	simm.s32 $0x40;
	s21 =	simm.s32 $0x0  }
.LBB2_2:
0x10: {  	p0 =	sne.s32 s20, $0x7CC0;
	[tilespmem:s21+$0x7E00] =	vst v0;
	s22 =	smov.u32 s20;
	s20 =	sadd.s32 $0x40, s20  }
.Ltmp0:
0x11: {  	[tilespmem:s21+$0x9D80] =	vst v2;
	(pc) =	sbr.rel @p0 .LBB2_2-.Ltmp0, $2  }
0x12: {  	_ =	sdelay $0x2  }
0x13: {  	s21 =	sshra.s32 s22, $0x2  }
0x14: {  	[tilespmem:s21+$0x7E00] =	vst v0  }
0x15: {  	[tilespmem:s21+$0x9D80] =	vst v2;
	s21 =	simm.s32 $0x0  }
0x16: {  	[tilespmem:s21], [sflag:$0x1] =	stream.linear.gather [hbm4b:s0+s21], $0x1F40, $0x38;
	[tilespmem:$0xBD80] =	vst v63  }
0x17: {  	s20 =	simm.s32 $0x0  }
0x18: {  	[tilespmem:s10], [sflag:$0x1] =	stream.linear.gather [hbm4b:s2+s21], $0x1F40, $0x38;
	[tilespmem:$0xBD80] =	vst v63  }
.LBB2_4:
0x19: {  	s22 =	smul.u32 $0x3E80, s21;
	_ =	sdelay $0x1  }
0x1a: {  	s23 =	sshrl.u32 s22, $0x3  }
0x1b: {  	s23 =	sadd.s32 $0x3E8, s23  }
0x1c: {  	s24 =	sadd.s32 s0, s23  }
0x1d: {  	[tilespmem:s11], [sflag:$0x2] =	stream.linear.gather [hbm4b:s24+s6], $0x1F40, $0x38;
	[tilespmem:$0xBD80] =	vst v63  }
0x1e: {  	s23 =	sadd.s32 s2, s23  }
0x1f: {  	[tilespmem:s12], [sflag:$0x2] =	stream.linear.gather [hbm4b:s23+s6], $0x1F40, $0x38;
	[tilespmem:$0xBD80] =	vst v63  }
0x20: {  	_ =	swait.ge [sflag:s13], $0x1F40  }
0x21: {  	[sflag:s13] =	ssyncset.done $0x0  }
0x22: {  	[sflag:s13] =	ssyncadd.s32 $0xFFFFE0C0  }
0x23: {  	_ =	swait.ge [sflag:s13], $0x1F40  }
0x24: {  	s25 =	simm.s32 $0x40;
	[sflag:s13] =	ssyncset.done $0x0  }
0x25: {  	v4 =	vimm.s32 $0x0;
	s24 =	simm.s32 $0x3F40;
	s23 =	simm.s32 $0xFFFFFFF8;
	[sflag:s13] =	ssyncadd.s32 $0xFFFFE0C0  }
.LBB2_5:
0x26: {  	v5 =	vld [tilespmem:s24+$0xFFFFFFC0];
	_ =	sdelay $0x4  }
0x27: {  	vm0 =	vge.s32 v5, v0;
	vm1 =	vlt.s32 v5, v1  }
0x28: {  	vm0 =	vmand vm0, vm1  }
0x29: {  	v6 =	vsel vm0, $0x1, v3  }
0x2a: {  	(xrf0) =	vadd.scan.msk.s32 $0xffff, v6;
	_ =	sdelay $0x5  }
0x2b: {  	v6, _, _ =	vpop (xrf0)  }
0x2c: {  	v6 =	vadd.s32 v6, v4  }
0x2d: {  	v7 =	vld [tilespmem:s25+$0xFFFFFFC0];
	v6 =	vadd.s32 $0xFFFFFFFF, v6;
	_ =	sdelay $0x4  }
0x2e: {  	v5 =	vsub.s32 v5, v0;
	[tilespmem:v6+s14+$0x0] =	vst.idx.msk vm0, v7  }
0x2f: {  	[tilespmem:v6+s15+$0x0] =	vst.idx.msk vm0, v5  }
0x30: {  	v5 =	vld [tilespmem:s24+$0xFFFFFFD0];
	_ =	sdelay $0x4  }
0x31: {  	vm15 =	vge.s32 v5, v0;
	vm2 =	vlt.s32 v5, v1  }
0x32: {  	vm1 =	vmand vm15, vm2  }
0x33: {  	v6 =	vsel vm1, $0x1, v3  }
0x34: {  	(xrf0) =	vadd.scan.msk.s32 $0xffff, v6;
	_ =	sdelay $0x1  }
0x35: {  	v6 =	vmpcnt.ones.xlane vm0;
	_ =	sdelay $0x3  }
0x36: {  	v4 =	vadd.s32 v4, v6;
	v6, _, _ =	vpop (xrf0)  }
0x37: {  	v6 =	vadd.s32 v6, v4  }
0x38: {  	v7 =	vld [tilespmem:s25+$0xFFFFFFD0];
	v6 =	vadd.s32 $0xFFFFFFFF, v6;
	_ =	sdelay $0x4  }
0x39: {  	v5 =	vsub.s32 v5, v0;
	[tilespmem:v6+s14+$0x0] =	vst.idx.msk vm1, v7  }
0x3a: {  	[tilespmem:v6+s15+$0x0] =	vst.idx.msk vm1, v5  }
0x3b: {  	v5 =	vld [tilespmem:s24+$0xFFFFFFE0];
	_ =	sdelay $0x4  }
0x3c: {  	vm4 =	vge.s32 v5, v0;
	vm5 =	vlt.s32 v5, v1  }
0x3d: {  	vm0 =	vmand vm4, vm5  }
0x3e: {  	v6 =	vsel vm0, $0x1, v3  }
0x3f: {  	(xrf0) =	vadd.scan.msk.s32 $0xffff, v6;
	_ =	sdelay $0x1  }
0x40: {  	v6 =	vmpcnt.ones.xlane vm1;
	_ =	sdelay $0x3  }
0x41: {  	v4 =	vadd.s32 v4, v6;
	v6, _, _ =	vpop (xrf0)  }
0x42: {  	v6 =	vadd.s32 v6, v4  }
0x43: {  	v7 =	vld [tilespmem:s25+$0xFFFFFFE0];
	v6 =	vadd.s32 $0xFFFFFFFF, v6;
	_ =	sdelay $0x4  }
0x44: {  	v5 =	vsub.s32 v5, v0;
	[tilespmem:v6+s14+$0x0] =	vst.idx.msk vm0, v7  }
0x45: {  	[tilespmem:v6+s15+$0x0] =	vst.idx.msk vm0, v5  }
0x46: {  	v5 =	vld [tilespmem:s24+$0xFFFFFFF0];
	_ =	sdelay $0x4  }
0x47: {  	vm6 =	vge.s32 v5, v0;
	vm7 =	vlt.s32 v5, v1  }
0x48: {  	vm1 =	vmand vm6, vm7  }
0x49: {  	v6 =	vsel vm1, $0x1, v3  }
0x4a: {  	(xrf0) =	vadd.scan.msk.s32 $0xffff, v6;
	_ =	sdelay $0x1  }
0x4b: {  	v6 =	vmpcnt.ones.xlane vm0;
	_ =	sdelay $0x3  }
0x4c: {  	v4 =	vadd.s32 v4, v6;
	v6, _, _ =	vpop (xrf0)  }
0x4d: {  	v6 =	vadd.s32 v6, v4  }
0x4e: {  	v7 =	vld [tilespmem:s25+$0xFFFFFFF0];
	v6 =	vadd.s32 $0xFFFFFFFF, v6;
	_ =	sdelay $0x4  }
0x4f: {  	v5 =	vsub.s32 v5, v0;
	[tilespmem:v6+s14+$0x0] =	vst.idx.msk vm1, v7  }
0x50: {  	[tilespmem:v6+s15+$0x0] =	vst.idx.msk vm1, v5  }
0x51: {  	v5 =	vld [tilespmem:s24+$0x0];
	_ =	sdelay $0x4  }
0x52: {  	vm8 =	vge.s32 v5, v0;
	vm9 =	vlt.s32 v5, v1  }
0x53: {  	vm0 =	vmand vm8, vm9  }
0x54: {  	v6 =	vsel vm0, $0x1, v3  }
0x55: {  	(xrf0) =	vadd.scan.msk.s32 $0xffff, v6;
	_ =	sdelay $0x1  }
0x56: {  	v6 =	vmpcnt.ones.xlane vm1;
	_ =	sdelay $0x3  }
0x57: {  	v4 =	vadd.s32 v4, v6;
	v6, _, _ =	vpop (xrf0)  }
0x58: {  	v6 =	vadd.s32 v6, v4  }
0x59: {  	v7 =	vld [tilespmem:s25+$0x0];
	v6 =	vadd.s32 $0xFFFFFFFF, v6;
	_ =	sdelay $0x4  }
0x5a: {  	v5 =	vsub.s32 v5, v0;
	[tilespmem:v6+s14+$0x0] =	vst.idx.msk vm0, v7  }
0x5b: {  	[tilespmem:v6+s15+$0x0] =	vst.idx.msk vm0, v5  }
0x5c: {  	v5 =	vld [tilespmem:s24+$0x10];
	_ =	sdelay $0x4  }
0x5d: {  	vm10 =	vge.s32 v5, v0;
	vm11 =	vlt.s32 v5, v1  }
0x5e: {  	vm1 =	vmand vm10, vm11  }
0x5f: {  	v6 =	vsel vm1, $0x1, v3  }
0x60: {  	(xrf0) =	vadd.scan.msk.s32 $0xffff, v6;
	_ =	sdelay $0x1  }
0x61: {  	v6 =	vmpcnt.ones.xlane vm0;
	_ =	sdelay $0x3  }
0x62: {  	v4 =	vadd.s32 v4, v6;
	v6, _, _ =	vpop (xrf0)  }
0x63: {  	v6 =	vadd.s32 v6, v4  }
0x64: {  	v7 =	vld [tilespmem:s25+$0x10];
	v6 =	vadd.s32 $0xFFFFFFFF, v6;
	_ =	sdelay $0x4  }
0x65: {  	v5 =	vsub.s32 v5, v0;
	[tilespmem:v6+s14+$0x0] =	vst.idx.msk vm1, v7  }
0x66: {  	[tilespmem:v6+s15+$0x0] =	vst.idx.msk vm1, v5  }
0x67: {  	v5 =	vld [tilespmem:s24+$0x20];
	_ =	sdelay $0x4  }
0x68: {  	vm12 =	vge.s32 v5, v0;
	vm13 =	vlt.s32 v5, v1  }
0x69: {  	vm0 =	vmand vm12, vm13  }
0x6a: {  	v6 =	vsel vm0, $0x1, v3  }
0x6b: {  	(xrf0) =	vadd.scan.msk.s32 $0xffff, v6;
	_ =	sdelay $0x1  }
0x6c: {  	v6 =	vmpcnt.ones.xlane vm1;
	_ =	sdelay $0x3  }
0x6d: {  	v4 =	vadd.s32 v4, v6;
	v6, _, _ =	vpop (xrf0)  }
0x6e: {  	v6 =	vadd.s32 v6, v4  }
0x6f: {  	v7 =	vld [tilespmem:s25+$0x20];
	v6 =	vadd.s32 $0xFFFFFFFF, v6;
	_ =	sdelay $0x4  }
0x70: {  	v5 =	vsub.s32 v5, v0;
	[tilespmem:v6+s14+$0x0] =	vst.idx.msk vm0, v7  }
0x71: {  	[tilespmem:v6+s15+$0x0] =	vst.idx.msk vm0, v5  }
0x72: {  	v5 =	vld [tilespmem:s24+$0x30];
	_ =	sdelay $0x4  }
0x73: {  	vm14 =	vge.s32 v5, v0;
	vm15 =	vlt.s32 v5, v1  }
0x74: {  	vm1 =	vmand vm14, vm15  }
0x75: {  	v6 =	vsel vm1, $0x1, v3  }
0x76: {  	(xrf0) =	vadd.scan.msk.s32 $0xffff, v6;
	_ =	sdelay $0x1  }
0x77: {  	v6 =	vmpcnt.ones.xlane vm0;
	_ =	sdelay $0x3  }
0x78: {  	v4 =	vadd.s32 v4, v6;
	v6, _, _ =	vpop (xrf0)  }
0x79: {  	v6 =	vadd.s32 v6, v4  }
0x7a: {  	s23 =	sadd.s32 $0x8, s23;
	v7 =	vld [tilespmem:s25+$0x30];
	v6 =	vadd.s32 $0xFFFFFFFF, v6  }
0x7b: {  	p0 =	slt.u32 s23, $0x1E8  }
.Ltmp1:
0x7c: {  	_ = 	snop;
	(pc) =	sbr.rel @p0 .LBB2_5-.Ltmp1, $4  }
0x7d: {  	_ = 	snop  }
0x7e: {  	v8 =	vmpcnt.ones.xlane vm1  }
0x7f: {  	v5 =	vsub.s32 v5, v0;
	[tilespmem:v6+s14+$0x0] =	vst.idx.msk vm1, v7  }
0x80: {  	s24 =	sadd.s32 $0x80, s24;
	s25 =	sadd.s32 $0x80, s25;
	v4 =	vadd.s32 v4, v8;
	[tilespmem:v6+s15+$0x0] =	vst.idx.msk vm1, v5  }
0x81: {  	v5 =	vld [tilespmem:$0x5E00];
	_ =	sdelay $0x4  }
0x82: {  	vm0 =	vge.s32 v5, v0;
	vm1 =	vlt.s32 v5, v1  }
0x83: {  	vm0 =	vmand vm0, vm1  }
0x84: {  	v6 =	vsel vm0, $0x1, v3  }
0x85: {  	(xrf0) =	vadd.scan.msk.s32 $0xffff, v6;
	_ =	sdelay $0x5  }
0x86: {  	v6, _, _ =	vpop (xrf0)  }
0x87: {  	v6 =	vadd.s32 v6, v4  }
0x88: {  	v7 =	vld [tilespmem:$0x1F00];
	v6 =	vadd.s32 $0xFFFFFFFF, v6;
	_ =	sdelay $0x4  }
0x89: {  	v5 =	vsub.s32 v5, v0;
	[tilespmem:v6+s14+$0x0] =	vst.idx.msk vm0, v7  }
0x8a: {  	[tilespmem:v6+s15+$0x0] =	vst.idx.msk vm0, v5  }
0x8b: {  	v5 =	vld [tilespmem:$0x5E10];
	_ =	sdelay $0x4  }
0x8c: {  	vm10 =	vge.s32 v5, v0;
	vm2 =	vlt.s32 v5, v1  }
0x8d: {  	vm1 =	vmand vm10, vm2  }
0x8e: {  	v6 =	vsel vm1, $0x1, v3  }
0x8f: {  	(xrf0) =	vadd.scan.msk.s32 $0xffff, v6;
	_ =	sdelay $0x1  }
0x90: {  	v6 =	vmpcnt.ones.xlane vm0;
	_ =	sdelay $0x3  }
0x91: {  	v4 =	vadd.s32 v4, v6;
	v6, _, _ =	vpop (xrf0)  }
0x92: {  	v6 =	vadd.s32 v6, v4  }
0x93: {  	v7 =	vld [tilespmem:$0x1F10];
	v6 =	vadd.s32 $0xFFFFFFFF, v6;
	_ =	sdelay $0x4  }
0x94: {  	v5 =	vsub.s32 v5, v0;
	[tilespmem:v6+s14+$0x0] =	vst.idx.msk vm1, v7  }
0x95: {  	[tilespmem:v6+s15+$0x0] =	vst.idx.msk vm1, v5  }
0x96: {  	v5 =	vld [tilespmem:$0x5E20];
	_ =	sdelay $0x4  }
0x97: {  	vm11 =	vge.s32 v5, v0;
	vm12 =	vlt.s32 v5, v1  }
0x98: {  	vm0 =	vmand vm11, vm12  }
0x99: {  	v6 =	vsel vm0, $0x1, v3  }
0x9a: {  	(xrf0) =	vadd.scan.msk.s32 $0xffff, v6;
	_ =	sdelay $0x1  }
0x9b: {  	v6 =	vmpcnt.ones.xlane vm1;
	_ =	sdelay $0x3  }
0x9c: {  	v4 =	vadd.s32 v4, v6;
	v6, _, _ =	vpop (xrf0)  }
0x9d: {  	v6 =	vadd.s32 v6, v4  }
0x9e: {  	v7 =	vld [tilespmem:$0x1F20];
	v6 =	vadd.s32 $0xFFFFFFFF, v6;
	_ =	sdelay $0x4  }
0x9f: {  	v5 =	vsub.s32 v5, v0;
	[tilespmem:v6+s14+$0x0] =	vst.idx.msk vm0, v7  }
0xa0: {  	[tilespmem:v6+s15+$0x0] =	vst.idx.msk vm0, v5  }
0xa1: {  	v5 =	vld [tilespmem:$0x5E30];
	_ =	sdelay $0x4  }
0xa2: {  	vm13 =	vge.s32 v5, v0;
	vm14 =	vlt.s32 v5, v1  }
0xa3: {  	v6 =	vmpcnt.ones.xlane vm0;
	vm15 =	vmand vm13, vm14  }
0xa4: {  	v7 =	vmpcnt.ones.xlane vm15  }
0xa5: {  	v4 =	vadd.s32 v4, v6  }
0xa6: {  	v6 =	vadd.s32 v4, v7  }
0xa7: {  	v7 =	vsel vm15, $0x1, v3;
	(v2sf) =	vpush v6, $0x0  }
0xa8: {  	(xrf0) =	vadd.scan.msk.s32 $0xffff, v7;
	_ =	sdelay $0x5  }
0xa9: {  	v6, _, _ =	vpop (xrf0)  }
0xaa: {  	v4 =	vadd.s32 v6, v4  }
0xab: {  	v6 =	vld [tilespmem:$0x1F30];
	v4 =	vadd.s32 $0xFFFFFFFF, v4;
	_ =	sdelay $0x3  }
0xac: {  	s23 =	sadd.s32 s7, s20  }
0xad: {  	s23 =	sshrl.u32 s23, $0x3;
	v5 =	vsub.s32 v5, v0;
	[tilespmem:v4+s14+$0x0] =	vst.idx.msk vm15, v6  }
0xae: {  	s25 =	sadd.s32 s4, s23;
	[tilespmem:v4+s15+$0x0] =	vst.idx.msk vm15, v5;
	s24 =	spop (v2sf)  }
0xaf: {  	[hbm4b:s25+s6] =	stream.linear.scatter [tilespmem:s14], [sflag:$0x3], $0x1F40, $0x38;
	[tilespmem:$0xBD80] =	vst v63  }
0xb0: {  	_ =	swait.ge [sflag:s16], $0x1F40  }
0xb1: {  	[sflag:s16] =	ssyncset.done $0x0  }
0xb2: {  	p0 =	seq.s32 s21, $0x13;
	s23 =	sadd.s32 s5, s23;
	[sflag:s16] =	ssyncadd.s32 $0xFFFFE0C0  }
0xb3: {  	[hbm4b:s23+s6] =	stream.linear.scatter [tilespmem:s15], [sflag:$0x3], $0x1F40, $0x38;
	[tilespmem:$0xBD80] =	vst v63  }
0xb4: {  	s22 =	sshrl.u32 @!p0 s22, $0x3;
	_ =	swait.ge [sflag:s16], $0x1F40  }
0xb5: {  	s22 =	sadd.s32 @!p0 $0x7D0, s22;
	[sflag:s16] =	ssyncset.done $0x0  }
0xb6: {  	s25 =	simm.s32 @!p0 $0x0;
	s23 =	sadd.s32 @!p0 s0, s22;
	[sflag:s16] =	ssyncadd.s32 $0xFFFFE0C0  }
0xb7: {  	[tilespmem:s25], [sflag:$0x1] =	stream.linear.gather @!p0 [hbm4b:s23+s25], $0x1F40, $0x38;
	[tilespmem:$0xBD80] =	vst v63  }
0xb8: {  	s22 =	sadd.s32 @!p0 s2, s22;
	s23 =	simm.s32 @!p0 $0x3F00  }
0xb9: {  	[tilespmem:s23], [sflag:$0x1] =	stream.linear.gather @!p0 [hbm4b:s22+s25], $0x1F40, $0x38;
	[tilespmem:$0xBD80] =	vst v63  }
0xba: {  	_ =	swait.ge [sflag:s17], $0x1F40  }
0xbb: {  	[sflag:s17] =	ssyncset.done $0x0  }
0xbc: {  	s21 =	sadd.s32 $0x1, s21;
	[sflag:s17] =	ssyncadd.s32 $0xFFFFE0C0  }
0xbd: {  	s31 =	sadd.s32 $0xF, s24;
	s24 =	simm.s32 $0x1FC0;
	_ =	swait.ge [sflag:s17], $0x1F40  }
0xbe: {  	s22 =	sand.u32 $0xFFFFFFF0, s31;
	s23 =	simm.s32 $0x5EC0;
	[sflag:s17] =	ssyncset.done $0x0  }
0xbf: {  	v4 =	vimm.s32 $0x0;
	s20 =	sadd.s32 s20, s22;
	s22 =	simm.s32 $0xFFFFFFF8;
	[sflag:s17] =	ssyncadd.s32 $0xFFFFE0C0  }
.LBB2_7:
0xc0: {  	v5 =	vld [tilespmem:s23+$0xFFFFFFC0];
	_ =	sdelay $0x4  }
0xc1: {  	vm0 =	vge.s32 v5, v0;
	vm1 =	vlt.s32 v5, v1  }
0xc2: {  	vm0 =	vmand vm0, vm1  }
0xc3: {  	v6 =	vsel vm0, $0x1, v3  }
0xc4: {  	(xrf0) =	vadd.scan.msk.s32 $0xffff, v6;
	_ =	sdelay $0x5  }
0xc5: {  	v6, _, _ =	vpop (xrf0)  }
0xc6: {  	v6 =	vadd.s32 v6, v4  }
0xc7: {  	v7 =	vld [tilespmem:s24+$0xFFFFFFC0];
	v6 =	vadd.s32 $0xFFFFFFFF, v6;
	_ =	sdelay $0x4  }
0xc8: {  	v5 =	vsub.s32 v5, v0;
	[tilespmem:v6+s14+$0x0] =	vst.idx.msk vm0, v7  }
0xc9: {  	[tilespmem:v6+s15+$0x0] =	vst.idx.msk vm0, v5  }
0xca: {  	v5 =	vld [tilespmem:s23+$0xFFFFFFD0];
	_ =	sdelay $0x4  }
0xcb: {  	vm15 =	vge.s32 v5, v0;
	vm2 =	vlt.s32 v5, v1  }
0xcc: {  	vm1 =	vmand vm15, vm2  }
0xcd: {  	v6 =	vsel vm1, $0x1, v3  }
0xce: {  	(xrf0) =	vadd.scan.msk.s32 $0xffff, v6;
	_ =	sdelay $0x1  }
0xcf: {  	v6 =	vmpcnt.ones.xlane vm0;
	_ =	sdelay $0x3  }
0xd0: {  	v4 =	vadd.s32 v4, v6;
	v6, _, _ =	vpop (xrf0)  }
0xd1: {  	v6 =	vadd.s32 v6, v4  }
0xd2: {  	v7 =	vld [tilespmem:s24+$0xFFFFFFD0];
	v6 =	vadd.s32 $0xFFFFFFFF, v6;
	_ =	sdelay $0x4  }
0xd3: {  	v5 =	vsub.s32 v5, v0;
	[tilespmem:v6+s14+$0x0] =	vst.idx.msk vm1, v7  }
0xd4: {  	[tilespmem:v6+s15+$0x0] =	vst.idx.msk vm1, v5  }
0xd5: {  	v5 =	vld [tilespmem:s23+$0xFFFFFFE0];
	_ =	sdelay $0x4  }
0xd6: {  	vm4 =	vge.s32 v5, v0;
	vm5 =	vlt.s32 v5, v1  }
0xd7: {  	vm0 =	vmand vm4, vm5  }
0xd8: {  	v6 =	vsel vm0, $0x1, v3  }
0xd9: {  	(xrf0) =	vadd.scan.msk.s32 $0xffff, v6;
	_ =	sdelay $0x1  }
0xda: {  	v6 =	vmpcnt.ones.xlane vm1;
	_ =	sdelay $0x3  }
0xdb: {  	v4 =	vadd.s32 v4, v6;
	v6, _, _ =	vpop (xrf0)  }
0xdc: {  	v6 =	vadd.s32 v6, v4  }
0xdd: {  	v7 =	vld [tilespmem:s24+$0xFFFFFFE0];
	v6 =	vadd.s32 $0xFFFFFFFF, v6;
	_ =	sdelay $0x4  }
0xde: {  	v5 =	vsub.s32 v5, v0;
	[tilespmem:v6+s14+$0x0] =	vst.idx.msk vm0, v7  }
0xdf: {  	[tilespmem:v6+s15+$0x0] =	vst.idx.msk vm0, v5  }
0xe0: {  	v5 =	vld [tilespmem:s23+$0xFFFFFFF0];
	_ =	sdelay $0x4  }
0xe1: {  	vm6 =	vge.s32 v5, v0;
	vm7 =	vlt.s32 v5, v1  }
0xe2: {  	vm1 =	vmand vm6, vm7  }
0xe3: {  	v6 =	vsel vm1, $0x1, v3  }
0xe4: {  	(xrf0) =	vadd.scan.msk.s32 $0xffff, v6;
	_ =	sdelay $0x1  }
0xe5: {  	v6 =	vmpcnt.ones.xlane vm0;
	_ =	sdelay $0x3  }
0xe6: {  	v4 =	vadd.s32 v4, v6;
	v6, _, _ =	vpop (xrf0)  }
0xe7: {  	v6 =	vadd.s32 v6, v4  }
0xe8: {  	v7 =	vld [tilespmem:s24+$0xFFFFFFF0];
	v6 =	vadd.s32 $0xFFFFFFFF, v6;
	_ =	sdelay $0x4  }
0xe9: {  	v5 =	vsub.s32 v5, v0;
	[tilespmem:v6+s14+$0x0] =	vst.idx.msk vm1, v7  }
0xea: {  	[tilespmem:v6+s15+$0x0] =	vst.idx.msk vm1, v5  }
0xeb: {  	v5 =	vld [tilespmem:s23+$0x0];
	_ =	sdelay $0x4  }
0xec: {  	vm8 =	vge.s32 v5, v0;
	vm9 =	vlt.s32 v5, v1  }
0xed: {  	vm0 =	vmand vm8, vm9  }
0xee: {  	v6 =	vsel vm0, $0x1, v3  }
0xef: {  	(xrf0) =	vadd.scan.msk.s32 $0xffff, v6;
	_ =	sdelay $0x1  }
0xf0: {  	v6 =	vmpcnt.ones.xlane vm1;
	_ =	sdelay $0x3  }
0xf1: {  	v4 =	vadd.s32 v4, v6;
	v6, _, _ =	vpop (xrf0)  }
0xf2: {  	v6 =	vadd.s32 v6, v4  }
0xf3: {  	v7 =	vld [tilespmem:s24+$0x0];
	v6 =	vadd.s32 $0xFFFFFFFF, v6;
	_ =	sdelay $0x4  }
0xf4: {  	v5 =	vsub.s32 v5, v0;
	[tilespmem:v6+s14+$0x0] =	vst.idx.msk vm0, v7  }
0xf5: {  	[tilespmem:v6+s15+$0x0] =	vst.idx.msk vm0, v5  }
0xf6: {  	v5 =	vld [tilespmem:s23+$0x10];
	_ =	sdelay $0x4  }
0xf7: {  	vm10 =	vge.s32 v5, v0;
	vm11 =	vlt.s32 v5, v1  }
0xf8: {  	vm1 =	vmand vm10, vm11  }
0xf9: {  	v6 =	vsel vm1, $0x1, v3  }
0xfa: {  	(xrf0) =	vadd.scan.msk.s32 $0xffff, v6;
	_ =	sdelay $0x1  }
0xfb: {  	v6 =	vmpcnt.ones.xlane vm0;
	_ =	sdelay $0x3  }
0xfc: {  	v4 =	vadd.s32 v4, v6;
	v6, _, _ =	vpop (xrf0)  }
0xfd: {  	v6 =	vadd.s32 v6, v4  }
0xfe: {  	v7 =	vld [tilespmem:s24+$0x10];
	v6 =	vadd.s32 $0xFFFFFFFF, v6;
	_ =	sdelay $0x4  }
0xff: {  	v5 =	vsub.s32 v5, v0;
	[tilespmem:v6+s14+$0x0] =	vst.idx.msk vm1, v7  }
0x100: {  	[tilespmem:v6+s15+$0x0] =	vst.idx.msk vm1, v5  }
0x101: {  	v5 =	vld [tilespmem:s23+$0x20];
	_ =	sdelay $0x4  }
0x102: {  	vm12 =	vge.s32 v5, v0;
	vm13 =	vlt.s32 v5, v1  }
0x103: {  	vm0 =	vmand vm12, vm13  }
0x104: {  	v6 =	vsel vm0, $0x1, v3  }
0x105: {  	(xrf0) =	vadd.scan.msk.s32 $0xffff, v6;
	_ =	sdelay $0x1  }
0x106: {  	v6 =	vmpcnt.ones.xlane vm1;
	_ =	sdelay $0x3  }
0x107: {  	v4 =	vadd.s32 v4, v6;
	v6, _, _ =	vpop (xrf0)  }
0x108: {  	v6 =	vadd.s32 v6, v4  }
0x109: {  	v7 =	vld [tilespmem:s24+$0x20];
	v6 =	vadd.s32 $0xFFFFFFFF, v6;
	_ =	sdelay $0x4  }
0x10a: {  	v5 =	vsub.s32 v5, v0;
	[tilespmem:v6+s14+$0x0] =	vst.idx.msk vm0, v7  }
0x10b: {  	[tilespmem:v6+s15+$0x0] =	vst.idx.msk vm0, v5  }
0x10c: {  	v5 =	vld [tilespmem:s23+$0x30];
	_ =	sdelay $0x4  }
0x10d: {  	vm14 =	vge.s32 v5, v0;
	vm15 =	vlt.s32 v5, v1  }
0x10e: {  	vm1 =	vmand vm14, vm15  }
0x10f: {  	v6 =	vsel vm1, $0x1, v3  }
0x110: {  	(xrf0) =	vadd.scan.msk.s32 $0xffff, v6;
	_ =	sdelay $0x1  }
0x111: {  	v6 =	vmpcnt.ones.xlane vm0;
	_ =	sdelay $0x3  }
0x112: {  	v4 =	vadd.s32 v4, v6;
	v6, _, _ =	vpop (xrf0)  }
0x113: {  	v6 =	vadd.s32 v6, v4  }
0x114: {  	s22 =	sadd.s32 $0x8, s22;
	v7 =	vld [tilespmem:s24+$0x30];
	v6 =	vadd.s32 $0xFFFFFFFF, v6  }
0x115: {  	p0 =	slt.u32 s22, $0x1E8  }
.Ltmp2:
0x116: {  	_ = 	snop;
	(pc) =	sbr.rel @p0 .LBB2_7-.Ltmp2, $4  }
0x117: {  	_ = 	snop  }
0x118: {  	v8 =	vmpcnt.ones.xlane vm1  }
0x119: {  	v5 =	vsub.s32 v5, v0;
	[tilespmem:v6+s14+$0x0] =	vst.idx.msk vm1, v7  }
0x11a: {  	s23 =	sadd.s32 $0x80, s23;
	s24 =	sadd.s32 $0x80, s24;
	v4 =	vadd.s32 v4, v8;
	[tilespmem:v6+s15+$0x0] =	vst.idx.msk vm1, v5  }
0x11b: {  	v5 =	vld [tilespmem:$0x7D80];
	_ =	sdelay $0x4  }
0x11c: {  	vm0 =	vge.s32 v5, v0;
	vm1 =	vlt.s32 v5, v1  }
0x11d: {  	vm0 =	vmand vm0, vm1  }
0x11e: {  	v6 =	vsel vm0, $0x1, v3  }
0x11f: {  	(xrf0) =	vadd.scan.msk.s32 $0xffff, v6;
	_ =	sdelay $0x5  }
0x120: {  	v6, _, _ =	vpop (xrf0)  }
0x121: {  	v6 =	vadd.s32 v6, v4  }
0x122: {  	v7 =	vld [tilespmem:$0x3E80];
	v6 =	vadd.s32 $0xFFFFFFFF, v6;
	_ =	sdelay $0x4  }
0x123: {  	v5 =	vsub.s32 v5, v0;
	[tilespmem:v6+s14+$0x0] =	vst.idx.msk vm0, v7  }
0x124: {  	[tilespmem:v6+s15+$0x0] =	vst.idx.msk vm0, v5  }
0x125: {  	v5 =	vld [tilespmem:$0x7D90];
	_ =	sdelay $0x4  }
0x126: {  	vm10 =	vge.s32 v5, v0;
	vm2 =	vlt.s32 v5, v1  }
0x127: {  	vm1 =	vmand vm10, vm2  }
0x128: {  	v53 =	vsel vm1, $0x1, v3  }
0x129: {  	(xrf0) =	vadd.scan.msk.s32 $0xffff, v53;
	_ =	sdelay $0x3  }
0x12a: {  	v54 =	vmpcnt.ones.xlane vm0;
	_ =	sdelay $0x1  }
0x12b: {  	v4 =	vadd.s32 v4, v54;
	v55, _, _ =	vpop (xrf0)  }
0x12c: {  	v6 =	vadd.s32 v55, v4  }
0x12d: {  	v7 =	vld [tilespmem:$0x3E90];
	v6 =	vadd.s32 $0xFFFFFFFF, v6;
	_ =	sdelay $0x4  }
0x12e: {  	v5 =	vsub.s32 v5, v0;
	[tilespmem:v6+s14+$0x0] =	vst.idx.msk vm1, v7  }
0x12f: {  	[tilespmem:v6+s15+$0x0] =	vst.idx.msk vm1, v5  }
0x130: {  	v5 =	vld [tilespmem:$0x7DA0];
	_ =	sdelay $0x4  }
0x131: {  	vm11 =	vge.s32 v5, v0;
	vm12 =	vlt.s32 v5, v1  }
0x132: {  	vm0 =	vmand vm11, vm12  }
0x133: {  	v56 =	vsel vm0, $0x1, v3  }
0x134: {  	(xrf0) =	vadd.scan.msk.s32 $0xffff, v56;
	_ =	sdelay $0x3  }
0x135: {  	v57 =	vmpcnt.ones.xlane vm1;
	_ =	sdelay $0x1  }
0x136: {  	v4 =	vadd.s32 v4, v57;
	v58, _, _ =	vpop (xrf0)  }
0x137: {  	v6 =	vadd.s32 v58, v4  }
0x138: {  	v7 =	vld [tilespmem:$0x3EA0];
	v6 =	vadd.s32 $0xFFFFFFFF, v6;
	_ =	sdelay $0x4  }
0x139: {  	v5 =	vsub.s32 v5, v0;
	[tilespmem:v6+s14+$0x0] =	vst.idx.msk vm0, v7  }
0x13a: {  	[tilespmem:v6+s15+$0x0] =	vst.idx.msk vm0, v5  }
0x13b: {  	v5 =	vld [tilespmem:$0x7DB0];
	_ =	sdelay $0x4  }
0x13c: {  	vm13 =	vge.s32 v5, v0;
	vm14 =	vlt.s32 v5, v1  }
0x13d: {  	v59 =	vmpcnt.ones.xlane vm0;
	vm15 =	vmand vm13, vm14  }
0x13e: {  	v60 =	vmpcnt.ones.xlane vm15  }
0x13f: {  	v4 =	vadd.s32 v4, v59;
	v61 =	vsel vm15, $0x1, v3  }
0x140: {  	(xrf0) =	vadd.scan.msk.s32 $0xffff, v61;
	v6 =	vadd.s32 v4, v60  }
0x141: {  	(v2sf) =	vpush v6, $0x0;
	_ =	sdelay $0x4  }
0x142: {  	v62, _, _ =	vpop (xrf0)  }
0x143: {  	v4 =	vadd.s32 v62, v4  }
0x144: {  	v63 =	vld [tilespmem:$0x3EB0];
	v4 =	vadd.s32 $0xFFFFFFFF, v4;
	_ =	sdelay $0x3  }
0x145: {  	s22 =	sadd.s32 s7, s20  }
0x146: {  	s22 =	sshrl.u32 s22, $0x3;
	v5 =	vsub.s32 v5, v0;
	[tilespmem:v4+s14+$0x0] =	vst.idx.msk vm15, v63  }
0x147: {  	s24 =	sadd.s32 s4, s22;
	[tilespmem:v4+s15+$0x0] =	vst.idx.msk vm15, v5  }
0x148: {  	[hbm4b:s24+s6] =	stream.linear.scatter [tilespmem:s14], [sflag:$0x3], $0x1F40, $0x38;
	[tilespmem:$0xBD80] =	vst v63  }
0x149: {  	s23 =	spop (v2sf)  }
0x14a: {  	_ =	swait.ge [sflag:s16], $0x1F40  }
0x14b: {  	p0 =	sne.s32 s21, $0x14;
	[sflag:s16] =	ssyncset.done $0x0  }
.Ltmp3:
0x14c: {  	s22 =	sadd.s32 s5, s22;
	[sflag:s16] =	ssyncadd.s32 $0xFFFFE0C0;
	(pc) =	sbr.rel @p0 .LBB2_4-.Ltmp3, $4  }
0x14d: {  	[hbm4b:s22+s6] =	stream.linear.scatter [tilespmem:s15], [sflag:$0x3], $0x1F40, $0x38;
	[tilespmem:$0xBD80] =	vst v63  }
0x14e: {  	s31 =	sadd.s32 $0xF, s23;
	_ =	swait.ge [sflag:s16], $0x1F40  }
0x14f: {  	s22 =	sand.u32 $0xFFFFFFF0, s31;
	[sflag:s16] =	ssyncset.done $0x0  }
0x150: {  	s20 =	sadd.s32 s20, s22;
	[sflag:s16] =	ssyncadd.s32 $0xFFFFE0C0  }
0x151: {  	s21 =	sadd.s32 s7, s20  }
0x152: {  	s21 =	sshrl.u32 s21, $0x3  }
0x153: {  	s22 =	sadd.s32 s4, s21  }
0x154: {  	[hbm4b:s22+s6] =	stream.linear.scatter [tilespmem:s14], [sflag:$0x3], $0x1F40, $0x38;
	[tilespmem:$0xBD80] =	vst v63  }
0x155: {  	_ =	swait.ge [sflag:s16], $0x1F40  }
0x156: {  	[sflag:s16] =	ssyncset.done $0x0  }
0x157: {  	s21 =	sadd.s32 s5, s21;
	[sflag:s16] =	ssyncadd.s32 $0xFFFFE0C0  }
0x158: {  	[hbm4b:s21+s6] =	stream.linear.scatter [tilespmem:s15], [sflag:$0x3], $0x1F40, $0x38;
	[tilespmem:$0xBD80] =	vst v63  }
0x159: {  	_ =	swait.ge [sflag:s16], $0x1F40  }
0x15a: {  	s19 =	sadd.s32 $0x1, s19;
	[sflag:s16] =	ssyncset.done $0x0  }
0x15b: {  	v4 =	vmov s20;
	p0 =	sne.s32 s19, s9;
	[sflag:s16] =	ssyncadd.s32 $0xFFFFE0C0  }
.Ltmp4:
0x15c: {  	[tilespmem:$0xBD00] =	vst v4;
	(pc) =	sbr.rel @p0 .LBB2_1-.Ltmp4, $4  }
0x15d: {  	[hbm4b:s8+s6] =	stream.linear.scatter [tilespmem:s18], [sflag:$0x3], $0x10, $0x38;
	[tilespmem:$0xBD80] =	vst v63  }
0x15e: {  	_ =	swait.ge [sflag:s16], $0x10  }
0x15f: {  	[sflag:s16] =	ssyncset.done $0x0  }
0x160: {  	[sflag:s16] =	ssyncadd.s32 $0xFFFFFFF0  }
0x161: {  	_ =	sfence.sel $0x180000  }
0x162: {  	[bflag:$0x0] =	sbarrier.arrive $0xFFFF  }
0x163: {  	p0 =	sne.s32 s3, $0x0;
	_ =	strace $0x90000047  }
0x164: {  	s0 =	sadd.s32 @!p0 $0x100000, s1;
	[bflag:$0x2] =	sbarrier.arrive $0xFFFF  }
0x165: {  	[sflag:s0] =	ssyncadd.tile.s32 @!p0 $0x1;
	_ =	shalt  }
.Lfunc_end2:
_tile_overlayer_lowered:
.L_overlay_start_2:
0x166: {  	(tag) =	ssettag $0x2  }
0x167: {  	s0 =	rddreg [dreg:$0x0];
	s2 =	stileid.u32  }
0x168: {  	s1 =	rddreg [dreg:$0x1];
	p0 =	sne.s32 s2, $0x0  }
0x169: {  	s3 =	rddreg [dreg:$0x2];
	[bflag:$0x3] =	sbarrier.arrive $0xFFFF;
	s2 =	simm.s32 @!p0 $0x1C03  }
0x16a: {  	[timem:s3], [sflag:s2] =	dma.local @!p0 [hbm:s0], s1  }
0x16b: {  	s0 =	simm.s32 @!p0 $0x3  }
0x16c: {  	_ =	swait.ge @!p0 [sflag:s0], s1  }
0x16d: {  	s1 =	ssub.s32 @!p0 $0x0, s1;
	[sflag:s0] =	ssyncset.done @!p0 $0x0  }
0x16e: {  	[sflag:s0] =	ssyncadd.s32 @!p0 s1  }
0x16f: {  	[bflag:$0x3] =	sbarrier.arrive $0xFFFF  }
0x170: {  	_ =	shalt  }

</sc_bundles>
